<compile_context>
chip_gen: v7x
topology: tpu7x:2x2x1
jax: 0.10.2.dev20260603
libtpu: 0.0.44.dev20260713+nightly
codegen_flags: <defaults>
</compile_context>

<pallas_src>
import functools

import jax
import jax.numpy as jnp
from jax import lax
from jax.experimental import pallas as pl
from jax.experimental.pallas import tpu as pltpu
from jax.experimental.pallas import tpu_sc as plsc

_N = 100000
_F = 128
_K = 32
_NC = 2
_NS = 16
_NW = _NC * _NS
_BLK = 200
_NBLK = _N // _BLK


def _rsqrt_vec(x):
    i = plsc.bitcast(x, jnp.int32)
    i = jnp.int32(0x5F3759DF) - (i >> 1)
    y = plsc.bitcast(i, jnp.float32)
    for _ in range(3):
        y = y * (1.5 - 0.5 * x * y * y)
    return y


def _tanh_scaled(k, two_inv):
    a = jnp.minimum(k * two_inv, 40.0)
    e = jnp.exp(a)
    return (e - 1.0) / (e + 1.0)


def _sort16(k, v, desc):
    return plsc.sort_key_val(k, v, descending=desc)


def _merge16(a, b, out_desc):
    (ka, va), (kb, vb) = a, b
    m = ka >= kb
    hk = jnp.maximum(ka, kb)
    hv = jnp.where(m, va, vb)
    lk = jnp.minimum(ka, kb)
    lv = jnp.where(m, vb, va)
    if out_desc:
        return _sort16(hk, hv, True), _sort16(lk, lv, True)
    return _sort16(lk, lv, False), _sort16(hk, hv, False)


def _merge32_top(A, B, out_desc):
    (ahk, ahv), (alk, alv) = A
    (blk, blv), (bhk, bhv) = B
    m1 = ahk >= blk
    m1k = jnp.maximum(ahk, blk)
    m1v = jnp.where(m1, ahv, blv)
    m2 = alk >= bhk
    m2k = jnp.maximum(alk, bhk)
    m2v = jnp.where(m2, alv, bhv)
    mm = m1k >= m2k
    hk = jnp.maximum(m1k, m2k)
    hv = jnp.where(mm, m1v, m2v)
    lk = jnp.minimum(m1k, m2k)
    lv = jnp.where(mm, m2v, m1v)
    if out_desc:
        return _sort16(hk, hv, True), _sort16(lk, lv, True)
    return _sort16(lk, lv, False), _sort16(hk, hv, False)


def _row_topk(evecs, svecs, two_inv):
    ch = [_sort16(evecs[c] * svecs[c], evecs[c], desc=(c % 2 == 0))
          for c in range(8)]
    A = _merge16(ch[0], ch[1], True)
    B = _merge16(ch[2], ch[3], False)
    C = _merge16(ch[4], ch[5], True)
    D = _merge16(ch[6], ch[7], False)
    E = _merge32_top(A, B, True)
    F = _merge32_top(C, D, False)
    (ghk, ghv), (glk, glv) = _merge32_top(E, F, True)
    o_hi = ghv * _tanh_scaled(ghk, two_inv)
    o_lo = glv * _tanh_scaled(glk, two_inv)
    return o_hi, o_lo


@functools.partial(
    pl.kernel,
    out_type=jax.ShapeDtypeStruct((_N, _K), jnp.float32),
    mesh=plsc.VectorSubcoreMesh(
        core_axis_name="c", subcore_axis_name="s",
        num_cores=_NC, num_subcores=_NS),
    scratch_types=[
        pltpu.VMEM((_F,), jnp.float32),
        pltpu.VMEM((2, _BLK, _F), jnp.float32),
        pltpu.VMEM((2, _BLK, _K), jnp.float32),
        pltpu.SemaphoreType.DMA((2,)),
        pltpu.SemaphoreType.DMA((2,)),
    ],
    compiler_params=pltpu.CompilerParams(needs_layout_passes=False),
)
def _topk_sc(emb_hbm, scorer_hbm, out_hbm, scorer_v, emb_v, out_v,
             sem_in, sem_out):
    wid = lax.axis_index("s") * _NC + lax.axis_index("c")
    nblk_w = (_NBLK + _NW - 1 - wid) // _NW

    pltpu.sync_copy(scorer_hbm, scorer_v)
    svecs = [scorer_v[pl.ds(16 * c, 16)] for c in range(8)]
    acc = svecs[0] * svecs[0]
    for c in range(1, 8):
        acc = acc + svecs[c] * svecs[c]
    total = jnp.sum(acc)
    two_inv = 2.0 * _rsqrt_vec(lax.broadcast_in_dim(total, (16,), ()))

    def _in_copy(i, buf):
        row0 = (wid + i * _NW) * _BLK
        return pltpu.make_async_copy(
            emb_hbm.at[pl.ds(row0, _BLK)],
            emb_v.at[buf], sem_in.at[buf])

    def _out_copy(i, buf):
        row0 = (wid + i * _NW) * _BLK
        return pltpu.make_async_copy(
            out_v.at[buf], out_hbm.at[pl.ds(row0, _BLK)],
            sem_out.at[buf])

    _in_copy(0, 0).start()

    def blk_body(i, carry):
        par = lax.rem(i, 2)
        nxt = 1 - par

        @pl.when(i + 1 < nblk_w)
        def _():
            _in_copy(i + 1, nxt).start()

        _in_copy(i, par).wait()

        @pl.when(i >= 2)
        def _():
            _out_copy(i - 2, par).wait()

        @plsc.parallel_loop(0, _BLK, unroll=2)
        def row_body(r):
            evecs = [emb_v[par, r, pl.ds(16 * c, 16)] for c in range(8)]
            o_hi, o_lo = _row_topk(evecs, svecs, two_inv)
            out_v[par, r, pl.ds(0, 16)] = o_hi
            out_v[par, r, pl.ds(16, 16)] = o_lo

        _out_copy(i, par).start()
        return carry

    lax.fori_loop(0, nblk_w, blk_body, 0)
    _out_copy(nblk_w - 2, lax.rem(nblk_w - 2, 2)).wait()
    _out_copy(nblk_w - 1, lax.rem(nblk_w - 1, 2)).wait()


def kernel(node_embs, scorer):
    return _topk_sc(node_embs, scorer)

# --- scband reference (transcript-rebuilt; emitter-appended) ---
"""Pipeline reference for scband-top-k-23012434772336 (READ-ONLY COPY).

The authoritative reference and input builder live on the scoring server;
editing this copy changes nothing except your own understanding.
"""

import jax, jax.numpy as jnp
import numpy as np
import math

FEATS = 128
K = 32
N = 100000

def setup_inputs(seed: int = 0) -> dict:
    key = jax.random.key(seed)
    k1, k2 = jax.random.split(key)
    node_embs = jax.random.normal(k1, (N, FEATS), dtype=jnp.float32)
    stdv = 1.0 / math.sqrt(FEATS)
    scorer = jax.random.uniform(k2, (FEATS,), dtype=jnp.float32, minval=-stdv, maxval=stdv)
    return {"node_embs": node_embs, "scorer": scorer}

def reference(node_embs, scorer):
    # scores = node_embs * scorer / ||scorer|| (elementwise broadcast over feature dim)
    scores = node_embs * scorer / jnp.linalg.norm(scorer)
    # top-k along dim=1 (feature dim); lax.top_k operates on the last axis, sorted descending
    vals, topk_indices = jax.lax.top_k(scores, K)
    out = jnp.take_along_axis(node_embs, topk_indices, axis=1) * jnp.tanh(jnp.take_along_axis(scores, topk_indices, axis=1))
    return out

if __name__ == "__main__":
    import jax
    _d = setup_inputs()
    print(jax.jit(kernel)(*tuple(_d.values())))

</pallas_src>

<mosaic_0001>
#map = affine_map<(d0, d1) -> (0, 0)>
#map1 = affine_map<(d0, d1) -> (0)>
module attributes {stable_mosaic.version = 14 : i64} {
  func.func @_topk_sc(%arg0: i32, %arg1: i32, %arg2: memref<100000x128xf32, #tpu.memory_space<hbm>>, %arg3: memref<128xf32, #tpu.memory_space<hbm>>, %arg4: memref<100000x32xf32, #tpu.memory_space<hbm>>, %arg5: memref<128xf32, #tpu.memory_space<vmem>>, %arg6: memref<2x200x128xf32, #tpu.memory_space<vmem>>, %arg7: memref<2x200x32xf32, #tpu.memory_space<vmem>>, %arg8: memref<2x!tpu.dma_semaphore, #tpu.memory_space<semaphore_mem>>, %arg9: memref<2x!tpu.dma_semaphore, #tpu.memory_space<semaphore_mem>>) attributes {dimension_semantics = [#tpu.dimension_semantics<core_parallel>, #tpu.dimension_semantics<subcore_parallel>], iteration_bounds = array<i64: 2, 16>, scalar_prefetch = 0 : i64, scratch_operands = 5 : i64, tpu.core_type = #tpu.core_type<sc_vector_subcore>, window_params = [{transform_indices = #map}, {transform_indices = #map1}, {transform_indices = #map}]} {
    %mul3A = arith.constant 2 : i32
    %mul3A_0 = arith.muli %arg1, %mul3A : i32
    %add3A = arith.addi %mul3A_0, %arg0 : i32
    %sub3A = arith.constant 531 : i32
    %sub3A_1 = arith.subi %sub3A, %add3A : i32
    %jit3A = arith.constant 32 : i32
    %div3A = arith.divsi %sub3A_1, %jit3A : i32
    %sign3A = arith.constant 0 : i32
    %sign3A_2 = arith.cmpi sgt, %sub3A_1, %sign3A : i32
    %sign3A_3 = arith.extui %sign3A_2 : i1 to i32
    %sign3A_4 = arith.constant 0 : i32
    %sign3A_5 = arith.cmpi slt, %sub3A_1, %sign3A_4 : i32
    %sign3A_6 = arith.extui %sign3A_5 : i1 to i32
    %sign3A_7 = arith.subi %sign3A_3, %sign3A_6 : i32
    %sign3A_8 = arith.constant 0 : i32
    %sign3A_9 = arith.cmpi sgt, %jit3A, %sign3A_8 : i32
    %sign3A_10 = arith.extui %sign3A_9 : i1 to i32
    %sign3A_11 = arith.constant 0 : i32
    %sign3A_12 = arith.cmpi slt, %jit3A, %sign3A_11 : i32
    %sign3A_13 = arith.extui %sign3A_12 : i1 to i32
    %sign3A_14 = arith.subi %sign3A_10, %sign3A_13 : i32
    %ne3A = arith.cmpi ne, %sign3A_7, %sign3A_14 : i32
    %rem3A = arith.remsi %sub3A_1, %jit3A : i32
    %ne3A_15 = arith.constant 0 : i32
    %ne3A_16 = arith.cmpi ne, %rem3A, %ne3A_15 : i32
    %and3A = arith.andi %ne3A, %ne3A_16 : i1
    %sub3A_17 = arith.constant 1 : i32
    %sub3A_18 = arith.subi %div3A, %sub3A_17 : i32
    %select_n3A = arith.select %and3A, %sub3A_18, %div3A : i32
    "tpu.region"() ({
      %run_scoped3A = tpu.sem_alloc : memref<!tpu.dma_semaphore, #tpu.memory_space<semaphore_mem>>
      tpu.enqueue_dma source(%arg3 : memref<128xf32, #tpu.memory_space<hbm>>) target(%arg5 : memref<128xf32, #tpu.memory_space<vmem>>) target_semaphore(%run_scoped3A : memref<!tpu.dma_semaphore, #tpu.memory_space<semaphore_mem>>)
      tpu.wait_dma2 semaphore(%run_scoped3A : memref<!tpu.dma_semaphore, #tpu.memory_space<semaphore_mem>>) src(%arg3 : memref<128xf32, #tpu.memory_space<hbm>>) dst(%arg5 : memref<128xf32, #tpu.memory_space<vmem>>)
      tpu.yield
    }) : () -> ()
    %get3A = arith.constant 0 : index
    %get3A_19 = tpu.vector_load %arg5[%get3A] {strides = array<i32>} : memref<128xf32, #tpu.memory_space<vmem>>, vector<16xf32>,
    %get3A_20 = arith.constant 16 : index
    %get3A_21 = tpu.vector_load %arg5[%get3A_20] {strides = array<i32>} : memref<128xf32, #tpu.memory_space<vmem>>, vector<16xf32>,
    %get3A_22 = arith.constant 32 : index
    %get3A_23 = tpu.vector_load %arg5[%get3A_22] {strides = array<i32>} : memref<128xf32, #tpu.memory_space<vmem>>, vector<16xf32>,
    %get3A_24 = arith.constant 48 : index
    %get3A_25 = tpu.vector_load %arg5[%get3A_24] {strides = array<i32>} : memref<128xf32, #tpu.memory_space<vmem>>, vector<16xf32>,
    %get3A_26 = arith.constant 64 : index
    %get3A_27 = tpu.vector_load %arg5[%get3A_26] {strides = array<i32>} : memref<128xf32, #tpu.memory_space<vmem>>, vector<16xf32>,
    %get3A_28 = arith.constant 80 : index
    %get3A_29 = tpu.vector_load %arg5[%get3A_28] {strides = array<i32>} : memref<128xf32, #tpu.memory_space<vmem>>, vector<16xf32>,
    %get3A_30 = arith.constant 96 : index
    %get3A_31 = tpu.vector_load %arg5[%get3A_30] {strides = array<i32>} : memref<128xf32, #tpu.memory_space<vmem>>, vector<16xf32>,
    %get3A_32 = arith.constant 112 : index
    %get3A_33 = tpu.vector_load %arg5[%get3A_32] {strides = array<i32>} : memref<128xf32, #tpu.memory_space<vmem>>, vector<16xf32>,
    %mul3A_34 = arith.mulf %get3A_19, %get3A_19 : vector<16xf32>
    %mul3A_35 = arith.mulf %get3A_21, %get3A_21 : vector<16xf32>
    %add3A_36 = arith.addf %mul3A_34, %mul3A_35 : vector<16xf32>
    %mul3A_37 = arith.mulf %get3A_23, %get3A_23 : vector<16xf32>
    %add3A_38 = arith.addf %add3A_36, %mul3A_37 : vector<16xf32>
    %mul3A_39 = arith.mulf %get3A_25, %get3A_25 : vector<16xf32>
    %add3A_40 = arith.addf %add3A_38, %mul3A_39 : vector<16xf32>
    %mul3A_41 = arith.mulf %get3A_27, %get3A_27 : vector<16xf32>
    %add3A_42 = arith.addf %add3A_40, %mul3A_41 : vector<16xf32>
    %mul3A_43 = arith.mulf %get3A_29, %get3A_29 : vector<16xf32>
    %add3A_44 = arith.addf %add3A_42, %mul3A_43 : vector<16xf32>
    %mul3A_45 = arith.mulf %get3A_31, %get3A_31 : vector<16xf32>
    %add3A_46 = arith.addf %add3A_44, %mul3A_45 : vector<16xf32>
    %mul3A_47 = arith.mulf %get3A_33, %get3A_33 : vector<16xf32>
    %add3A_48 = arith.addf %add3A_46, %mul3A_47 : vector<16xf32>
    %reduce_sum3A = arith.constant true
    %reduce_sum3A_49 = vector.broadcast %reduce_sum3A : i1 to vector<16xi1>
    %reduce_sum3A_50 = tpu.scan <sum>, %add3A_48 masked %reduce_sum3A_49 : vector<16xf32>, vector<16xi1> -> vector<16xf32>
    %reduce_sum3A_51 = vector.extract %reduce_sum3A_50[15] : f32 from vector<16xf32>
    %broadcast_in_dim3A = vector.broadcast %reduce_sum3A_51 : f32 to vector<16xf32>
    %bitcast3A = vector.bitcast %broadcast_in_dim3A : vector<16xf32> to vector<16xi32>
    %shift_right_arithmetic3A = arith.constant 1 : i32
    %shift_right_arithmetic3A_52 = vector.broadcast %shift_right_arithmetic3A : i32 to vector<16xi32>
    %shift_right_arithmetic3A_53 = arith.shrsi %bitcast3A, %shift_right_arithmetic3A_52 : vector<16xi32>
    %sub3A_54 = arith.constant 1597463007 : i32
    %sub3A_55 = vector.broadcast %sub3A_54 : i32 to vector<16xi32>
    %sub3A_56 = arith.subi %sub3A_55, %shift_right_arithmetic3A_53 : vector<16xi32>
    %bitcast3A_57 = vector.bitcast %sub3A_56 : vector<16xi32> to vector<16xf32>
    %mul3A_58 = arith.constant 5.000000e-01 : f32
    %mul3A_59 = vector.broadcast %mul3A_58 : f32 to vector<16xf32>
    %mul3A_60 = arith.mulf %mul3A_59, %broadcast_in_dim3A : vector<16xf32>
    %mul3A_61 = arith.mulf %mul3A_60, %bitcast3A_57 : vector<16xf32>
    %mul3A_62 = arith.mulf %mul3A_61, %bitcast3A_57 : vector<16xf32>
    %sub3A_63 = arith.constant 1.500000e+00 : f32
    %sub3A_64 = vector.broadcast %sub3A_63 : f32 to vector<16xf32>
    %sub3A_65 = arith.subf %sub3A_64, %mul3A_62 : vector<16xf32>
    %mul3A_66 = arith.mulf %bitcast3A_57, %sub3A_65 : vector<16xf32>
    %mul3A_67 = arith.constant 5.000000e-01 : f32
    %mul3A_68 = vector.broadcast %mul3A_67 : f32 to vector<16xf32>
    %mul3A_69 = arith.mulf %mul3A_68, %broadcast_in_dim3A : vector<16xf32>
    %mul3A_70 = arith.mulf %mul3A_69, %mul3A_66 : vector<16xf32>
    %mul3A_71 = arith.mulf %mul3A_70, %mul3A_66 : vector<16xf32>
    %sub3A_72 = arith.constant 1.500000e+00 : f32
    %sub3A_73 = vector.broadcast %sub3A_72 : f32 to vector<16xf32>
    %sub3A_74 = arith.subf %sub3A_73, %mul3A_71 : vector<16xf32>
    %mul3A_75 = arith.mulf %mul3A_66, %sub3A_74 : vector<16xf32>
    %mul3A_76 = arith.constant 5.000000e-01 : f32
    %mul3A_77 = vector.broadcast %mul3A_76 : f32 to vector<16xf32>
    %mul3A_78 = arith.mulf %mul3A_77, %broadcast_in_dim3A : vector<16xf32>
    %mul3A_79 = arith.mulf %mul3A_78, %mul3A_75 : vector<16xf32>
    %mul3A_80 = arith.mulf %mul3A_79, %mul3A_75 : vector<16xf32>
    %sub3A_81 = arith.constant 1.500000e+00 : f32
    %sub3A_82 = vector.broadcast %sub3A_81 : f32 to vector<16xf32>
    %sub3A_83 = arith.subf %sub3A_82, %mul3A_80 : vector<16xf32>
    %mul3A_84 = arith.mulf %mul3A_75, %sub3A_83 : vector<16xf32>
    %mul3A_85 = arith.constant 2.000000e+00 : f32
    %mul3A_86 = vector.broadcast %mul3A_85 : f32 to vector<16xf32>
    %mul3A_87 = arith.mulf %mul3A_86, %mul3A_84 : vector<16xf32>
    %add3A_88 = arith.constant 0 : i32
    %add3A_89 = arith.addi %add3A, %add3A_88 : i32
    %mul3A_90 = arith.constant 200 : i32
    %mul3A_91 = arith.muli %add3A_89, %mul3A_90 : i32
    %dma_start3A = arith.constant 0 : i32
    %dma_start3A_92 = arith.constant 0 : i32
    %dma_start3A_93 = arith.constant 0 : i32
    %dma_start3A_94 = arith.constant 0 : i32
    %dma_start3A_95 = tpu.memref_slice %arg6[%dma_start3A, %dma_start3A_93, %dma_start3A_94] : memref<2x200x128xf32, #tpu.memory_space<vmem>> -> memref<1x200x128xf32, #tpu.memory_space<vmem>>
    %dma_start3A_96 = tpu.memref_squeeze %dma_start3A_95 : memref<1x200x128xf32, #tpu.memory_space<vmem>> -> memref<200x128xf32, #tpu.memory_space<vmem>>
    %dma_start3A_97 = arith.constant 0 : i32
    %dma_start3A_98 = tpu.memref_slice %arg2[%mul3A_91, %dma_start3A_97] : memref<100000x128xf32, #tpu.memory_space<hbm>> -> memref<200x128xf32, #tpu.memory_space<hbm>>
    %dma_start3A_99 = tpu.memref_slice %arg8[%dma_start3A_92] : memref<2x!tpu.dma_semaphore, #tpu.memory_space<semaphore_mem>> -> memref<1x!tpu.dma_semaphore, #tpu.memory_space<semaphore_mem>>
    %dma_start3A_100 = tpu.memref_squeeze %dma_start3A_99 : memref<1x!tpu.dma_semaphore, #tpu.memory_space<semaphore_mem>> -> memref<!tpu.dma_semaphore, #tpu.memory_space<semaphore_mem>>
    %dma_start3A_101 = arith.constant 0 : i32
    %dma_start3A_102 = arith.constant 0 : i32
    %dma_start3A_103 = tpu.memref_slice %arg6[%dma_start3A, %dma_start3A_101, %dma_start3A_102] : memref<2x200x128xf32, #tpu.memory_space<vmem>> -> memref<1x200x128xf32, #tpu.memory_space<vmem>>
    %dma_start3A_104 = tpu.memref_squeeze %dma_start3A_103 : memref<1x200x128xf32, #tpu.memory_space<vmem>> -> memref<200x128xf32, #tpu.memory_space<vmem>>
    %dma_start3A_105 = arith.constant 0 : i32
    %dma_start3A_106 = tpu.memref_slice %arg2[%mul3A_91, %dma_start3A_105] : memref<100000x128xf32, #tpu.memory_space<hbm>> -> memref<200x128xf32, #tpu.memory_space<hbm>>
    tpu.enqueue_dma source(%dma_start3A_106 : memref<200x128xf32, #tpu.memory_space<hbm>>) target(%dma_start3A_104 : memref<200x128xf32, #tpu.memory_space<vmem>>) target_semaphore(%dma_start3A_100 : memref<!tpu.dma_semaphore, #tpu.memory_space<semaphore_mem>>)
    %while3A = arith.constant 0 : i32
    %while3A_107 = arith.constant 0 : i32
    %while3A_108 = arith.subi %select_n3A, %while3A_107 : i32
    %while3A_109 = arith.addi %while3A_107, %while3A_108 : i32
    %while3A_110 = arith.constant 1 : i32
    %while3A_111 = arith.divsi %while3A_108, %while3A_110 : i32
    %while3A_112 = arith.muli %while3A_111, %while3A_110 : i32
    %while3A_113 = arith.addi %while3A_107, %while3A_112 : i32
    %while3A_114 = arith.constant 1 : i32
    scf.for %while3A_165 = %while3A_107 to %while3A_113 step %while3A_114  : i32 {
      %rem3A_166 = arith.constant 2 : i32
      %rem3A_167 = arith.remsi %while3A_165, %rem3A_166 : i32
      %sub3A_168 = arith.constant 1 : i32
      %sub3A_169 = arith.subi %sub3A_168, %rem3A_167 : i32
      %add3A_170 = arith.constant 1 : i32
      %add3A_171 = arith.addi %while3A_165, %add3A_170 : i32
      %lt3A = arith.cmpi slt, %add3A_171, %select_n3A : i32
      %convert_element_type3A = arith.extui %lt3A : i1 to i32
      %cond3A = arith.constant 0 : i32
      %cond3A_172 = arith.cmpi ne, %convert_element_type3A, %cond3A : i32
      scf.if %cond3A_172 {
        %add3A_217 = arith.constant 1 : i32
        %add3A_218 = arith.addi %while3A_165, %add3A_217 : i32
        %mul3A_219 = arith.constant 32 : i32
        %mul3A_220 = arith.muli %add3A_218, %mul3A_219 : i32
        %add3A_221 = arith.addi %add3A, %mul3A_220 : i32
        %mul3A_222 = arith.constant 200 : i32
        %mul3A_223 = arith.muli %add3A_221, %mul3A_222 : i32
        %dma_start3A_224 = arith.constant 0 : i32
        %dma_start3A_225 = arith.constant 0 : i32
        %dma_start3A_226 = tpu.memref_slice %arg6[%sub3A_169, %dma_start3A_224, %dma_start3A_225] : memref<2x200x128xf32, #tpu.memory_space<vmem>> -> memref<1x200x128xf32, #tpu.memory_space<vmem>>
        %dma_start3A_227 = tpu.memref_squeeze %dma_start3A_226 : memref<1x200x128xf32, #tpu.memory_space<vmem>> -> memref<200x128xf32, #tpu.memory_space<vmem>>
        %dma_start3A_228 = arith.constant 0 : i32
        %dma_start3A_229 = tpu.memref_slice %arg2[%mul3A_223, %dma_start3A_228] : memref<100000x128xf32, #tpu.memory_space<hbm>> -> memref<200x128xf32, #tpu.memory_space<hbm>>
        %dma_start3A_230 = tpu.memref_slice %arg8[%sub3A_169] : memref<2x!tpu.dma_semaphore, #tpu.memory_space<semaphore_mem>> -> memref<1x!tpu.dma_semaphore, #tpu.memory_space<semaphore_mem>>
        %dma_start3A_231 = tpu.memref_squeeze %dma_start3A_230 : memref<1x!tpu.dma_semaphore, #tpu.memory_space<semaphore_mem>> -> memref<!tpu.dma_semaphore, #tpu.memory_space<semaphore_mem>>
        %dma_start3A_232 = arith.constant 0 : i32
        %dma_start3A_233 = arith.constant 0 : i32
        %dma_start3A_234 = tpu.memref_slice %arg6[%sub3A_169, %dma_start3A_232, %dma_start3A_233] : memref<2x200x128xf32, #tpu.memory_space<vmem>> -> memref<1x200x128xf32, #tpu.memory_space<vmem>>
        %dma_start3A_235 = tpu.memref_squeeze %dma_start3A_234 : memref<1x200x128xf32, #tpu.memory_space<vmem>> -> memref<200x128xf32, #tpu.memory_space<vmem>>
        %dma_start3A_236 = arith.constant 0 : i32
        %dma_start3A_237 = tpu.memref_slice %arg2[%mul3A_223, %dma_start3A_236] : memref<100000x128xf32, #tpu.memory_space<hbm>> -> memref<200x128xf32, #tpu.memory_space<hbm>>
        tpu.enqueue_dma source(%dma_start3A_237 : memref<200x128xf32, #tpu.memory_space<hbm>>) target(%dma_start3A_235 : memref<200x128xf32, #tpu.memory_space<vmem>>) target_semaphore(%dma_start3A_231 : memref<!tpu.dma_semaphore, #tpu.memory_space<semaphore_mem>>)
      } else {
      }
      %mul3A_173 = arith.constant 32 : i32
      %mul3A_174 = arith.muli %while3A_165, %mul3A_173 : i32
      %add3A_175 = arith.addi %add3A, %mul3A_174 : i32
      %mul3A_176 = arith.constant 200 : i32
      %mul3A_177 = arith.muli %add3A_175, %mul3A_176 : i32
      %dma_wait3A_178 = arith.constant 0 : i32
      %dma_wait3A_179 = arith.constant 0 : i32
      %dma_wait3A_180 = tpu.memref_slice %arg6[%rem3A_167, %dma_wait3A_178, %dma_wait3A_179] : memref<2x200x128xf32, #tpu.memory_space<vmem>> -> memref<1x200x128xf32, #tpu.memory_space<vmem>>
      %dma_wait3A_181 = tpu.memref_squeeze %dma_wait3A_180 : memref<1x200x128xf32, #tpu.memory_space<vmem>> -> memref<200x128xf32, #tpu.memory_space<vmem>>
      %dma_wait3A_182 = arith.constant 0 : i32
      %dma_wait3A_183 = tpu.memref_slice %arg2[%mul3A_177, %dma_wait3A_182] : memref<100000x128xf32, #tpu.memory_space<hbm>> -> memref<200x128xf32, #tpu.memory_space<hbm>>
      %dma_wait3A_184 = tpu.memref_slice %arg8[%rem3A_167] : memref<2x!tpu.dma_semaphore, #tpu.memory_space<semaphore_mem>> -> memref<1x!tpu.dma_semaphore, #tpu.memory_space<semaphore_mem>>
      %dma_wait3A_185 = tpu.memref_squeeze %dma_wait3A_184 : memref<1x!tpu.dma_semaphore, #tpu.memory_space<semaphore_mem>> -> memref<!tpu.dma_semaphore, #tpu.memory_space<semaphore_mem>>
      %dma_wait3A_186 = arith.constant 0 : i32
      %dma_wait3A_187 = arith.constant 0 : i32
      %dma_wait3A_188 = tpu.memref_slice %arg6[%rem3A_167, %dma_wait3A_186, %dma_wait3A_187] : memref<2x200x128xf32, #tpu.memory_space<vmem>> -> memref<1x200x128xf32, #tpu.memory_space<vmem>>
      %dma_wait3A_189 = tpu.memref_squeeze %dma_wait3A_188 : memref<1x200x128xf32, #tpu.memory_space<vmem>> -> memref<200x128xf32, #tpu.memory_space<vmem>>
      %dma_wait3A_190 = arith.constant 0 : i32
      %dma_wait3A_191 = tpu.memref_slice %arg2[%mul3A_177, %dma_wait3A_190] : memref<100000x128xf32, #tpu.memory_space<hbm>> -> memref<200x128xf32, #tpu.memory_space<hbm>>
      tpu.wait_dma2 semaphore(%dma_wait3A_185 : memref<!tpu.dma_semaphore, #tpu.memory_space<semaphore_mem>>) src(%dma_wait3A_191 : memref<200x128xf32, #tpu.memory_space<hbm>>) dst(%dma_wait3A_189 : memref<200x128xf32, #tpu.memory_space<vmem>>)
      %ge3A = arith.constant 2 : i32
      %ge3A_192 = arith.cmpi sge, %while3A_165, %ge3A : i32
      %convert_element_type3A_193 = arith.extui %ge3A_192 : i1 to i32
      %cond3A_194 = arith.constant 0 : i32
      %cond3A_195 = arith.cmpi ne, %convert_element_type3A_193, %cond3A_194 : i32
      scf.if %cond3A_195 {
        %sub3A_217 = arith.constant 2 : i32
        %sub3A_218 = arith.subi %while3A_165, %sub3A_217 : i32
        %mul3A_219 = arith.constant 32 : i32
        %mul3A_220 = arith.muli %sub3A_218, %mul3A_219 : i32
        %add3A_221 = arith.addi %add3A, %mul3A_220 : i32
        %mul3A_222 = arith.constant 200 : i32
        %mul3A_223 = arith.muli %add3A_221, %mul3A_222 : i32
        %dma_wait3A_224 = arith.constant 0 : i32
        %dma_wait3A_225 = arith.constant 0 : i32
        %dma_wait3A_226 = tpu.memref_slice %arg7[%rem3A_167, %dma_wait3A_224, %dma_wait3A_225] : memref<2x200x32xf32, #tpu.memory_space<vmem>> -> memref<1x200x32xf32, #tpu.memory_space<vmem>>
        %dma_wait3A_227 = tpu.memref_squeeze %dma_wait3A_226 : memref<1x200x32xf32, #tpu.memory_space<vmem>> -> memref<200x32xf32, #tpu.memory_space<vmem>>
        %dma_wait3A_228 = arith.constant 0 : i32
        %dma_wait3A_229 = tpu.memref_slice %arg4[%mul3A_223, %dma_wait3A_228] : memref<100000x32xf32, #tpu.memory_space<hbm>> -> memref<200x32xf32, #tpu.memory_space<hbm>>
        %dma_wait3A_230 = tpu.memref_slice %arg9[%rem3A_167] : memref<2x!tpu.dma_semaphore, #tpu.memory_space<semaphore_mem>> -> memref<1x!tpu.dma_semaphore, #tpu.memory_space<semaphore_mem>>
        %dma_wait3A_231 = tpu.memref_squeeze %dma_wait3A_230 : memref<1x!tpu.dma_semaphore, #tpu.memory_space<semaphore_mem>> -> memref<!tpu.dma_semaphore, #tpu.memory_space<semaphore_mem>>
        %dma_wait3A_232 = arith.constant 0 : i32
        %dma_wait3A_233 = tpu.memref_slice %arg4[%mul3A_223, %dma_wait3A_232] : memref<100000x32xf32, #tpu.memory_space<hbm>> -> memref<200x32xf32, #tpu.memory_space<hbm>>
        %dma_wait3A_234 = arith.constant 0 : i32
        %dma_wait3A_235 = arith.constant 0 : i32
        %dma_wait3A_236 = tpu.memref_slice %arg7[%rem3A_167, %dma_wait3A_234, %dma_wait3A_235] : memref<2x200x32xf32, #tpu.memory_space<vmem>> -> memref<1x200x32xf32, #tpu.memory_space<vmem>>
        %dma_wait3A_237 = tpu.memref_squeeze %dma_wait3A_236 : memref<1x200x32xf32, #tpu.memory_space<vmem>> -> memref<200x32xf32, #tpu.memory_space<vmem>>
        tpu.wait_dma2 semaphore(%dma_wait3A_231 : memref<!tpu.dma_semaphore, #tpu.memory_space<semaphore_mem>>) src(%dma_wait3A_237 : memref<200x32xf32, #tpu.memory_space<vmem>>) dst(%dma_wait3A_233 : memref<200x32xf32, #tpu.memory_space<hbm>>)
      } else {
      }
      %parallel_loop3A = arith.constant 0 : i32
      %parallel_loop3A_196 = arith.constant 200 : i32
      %parallel_loop3A_197 = arith.constant 1 : i32
      scf.for %parallel_loop3A_217 = %parallel_loop3A to %parallel_loop3A_196 step %parallel_loop3A_197  : i32 {
        %parallel_loop3A_218 = arith.index_cast %rem3A_167 : i32 to index
        %parallel_loop3A_219 = arith.index_cast %parallel_loop3A_217 : i32 to index
        %parallel_loop3A_220 = arith.constant 0 : index
        %parallel_loop3A_221 = tpu.vector_load %arg6[%parallel_loop3A_218, %parallel_loop3A_219, %parallel_loop3A_220] {strides = array<i32>} : memref<2x200x128xf32, #tpu.memory_space<vmem>>, vector<16xf32>,
        %parallel_loop3A_222 = arith.index_cast %rem3A_167 : i32 to index
        %parallel_loop3A_223 = arith.index_cast %parallel_loop3A_217 : i32 to index
        %parallel_loop3A_224 = arith.constant 16 : index
        %parallel_loop3A_225 = tpu.vector_load %arg6[%parallel_loop3A_222, %parallel_loop3A_223, %parallel_loop3A_224] {strides = array<i32>} : memref<2x200x128xf32, #tpu.memory_space<vmem>>, vector<16xf32>,
        %parallel_loop3A_226 = arith.index_cast %rem3A_167 : i32 to index
        %parallel_loop3A_227 = arith.index_cast %parallel_loop3A_217 : i32 to index
        %parallel_loop3A_228 = arith.constant 32 : index
        %parallel_loop3A_229 = tpu.vector_load %arg6[%parallel_loop3A_226, %parallel_loop3A_227, %parallel_loop3A_228] {strides = array<i32>} : memref<2x200x128xf32, #tpu.memory_space<vmem>>, vector<16xf32>,
        %parallel_loop3A_230 = arith.index_cast %rem3A_167 : i32 to index
        %parallel_loop3A_231 = arith.index_cast %parallel_loop3A_217 : i32 to index
        %parallel_loop3A_232 = arith.constant 48 : index
        %parallel_loop3A_233 = tpu.vector_load %arg6[%parallel_loop3A_230, %parallel_loop3A_231, %parallel_loop3A_232] {strides = array<i32>} : memref<2x200x128xf32, #tpu.memory_space<vmem>>, vector<16xf32>,
        %parallel_loop3A_234 = arith.index_cast %rem3A_167 : i32 to index
        %parallel_loop3A_235 = arith.index_cast %parallel_loop3A_217 : i32 to index
        %parallel_loop3A_236 = arith.constant 64 : index
        %parallel_loop3A_237 = tpu.vector_load %arg6[%parallel_loop3A_234, %parallel_loop3A_235, %parallel_loop3A_236] {strides = array<i32>} : memref<2x200x128xf32, #tpu.memory_space<vmem>>, vector<16xf32>,
        %parallel_loop3A_238 = arith.index_cast %rem3A_167 : i32 to index
        %parallel_loop3A_239 = arith.index_cast %parallel_loop3A_217 : i32 to index
        %parallel_loop3A_240 = arith.constant 80 : index
        %parallel_loop3A_241 = tpu.vector_load %arg6[%parallel_loop3A_238, %parallel_loop3A_239, %parallel_loop3A_240] {strides = array<i32>} : memref<2x200x128xf32, #tpu.memory_space<vmem>>, vector<16xf32>,
        %parallel_loop3A_242 = arith.index_cast %rem3A_167 : i32 to index
        %parallel_loop3A_243 = arith.index_cast %parallel_loop3A_217 : i32 to index
        %parallel_loop3A_244 = arith.constant 96 : index
        %parallel_loop3A_245 = tpu.vector_load %arg6[%parallel_loop3A_242, %parallel_loop3A_243, %parallel_loop3A_244] {strides = array<i32>} : memref<2x200x128xf32, #tpu.memory_space<vmem>>, vector<16xf32>,
        %parallel_loop3A_246 = arith.index_cast %rem3A_167 : i32 to index
        %parallel_loop3A_247 = arith.index_cast %parallel_loop3A_217 : i32 to index
        %parallel_loop3A_248 = arith.constant 112 : index
        %parallel_loop3A_249 = tpu.vector_load %arg6[%parallel_loop3A_246, %parallel_loop3A_247, %parallel_loop3A_248] {strides = array<i32>} : memref<2x200x128xf32, #tpu.memory_space<vmem>>, vector<16xf32>,
        %parallel_loop3A_250 = arith.mulf %parallel_loop3A_221, %get3A_19 : vector<16xf32>
        %parallel_loop3A_251 = arith.constant dense<true> : vector<16xi1>
        %parallel_loop3A_252, %parallel_loop3A_253, %parallel_loop3A_254 = tpu.sort %parallel_loop3A_250, %parallel_loop3A_221 masked %parallel_loop3A_251 {descending = true} : (vector<16xf32>, vector<16xf32>, vector<16xi1>) -> (vector<16xi1>, vector<16xf32>, vector<16xf32>)
        %parallel_loop3A_255 = arith.mulf %parallel_loop3A_225, %get3A_21 : vector<16xf32>
        %parallel_loop3A_256 = arith.constant dense<true> : vector<16xi1>
        %parallel_loop3A_257, %parallel_loop3A_258, %parallel_loop3A_259 = tpu.sort %parallel_loop3A_255, %parallel_loop3A_225 masked %parallel_loop3A_256 : (vector<16xf32>, vector<16xf32>, vector<16xi1>) -> (vector<16xi1>, vector<16xf32>, vector<16xf32>)
        %parallel_loop3A_260 = arith.mulf %parallel_loop3A_229, %get3A_23 : vector<16xf32>
        %parallel_loop3A_261 = arith.constant dense<true> : vector<16xi1>
        %parallel_loop3A_262, %parallel_loop3A_263, %parallel_loop3A_264 = tpu.sort %parallel_loop3A_260, %parallel_loop3A_229 masked %parallel_loop3A_261 {descending = true} : (vector<16xf32>, vector<16xf32>, vector<16xi1>) -> (vector<16xi1>, vector<16xf32>, vector<16xf32>)
        %parallel_loop3A_265 = arith.mulf %parallel_loop3A_233, %get3A_25 : vector<16xf32>
        %parallel_loop3A_266 = arith.constant dense<true> : vector<16xi1>
        %parallel_loop3A_267, %parallel_loop3A_268, %parallel_loop3A_269 = tpu.sort %parallel_loop3A_265, %parallel_loop3A_233 masked %parallel_loop3A_266 : (vector<16xf32>, vector<16xf32>, vector<16xi1>) -> (vector<16xi1>, vector<16xf32>, vector<16xf32>)
        %parallel_loop3A_270 = arith.mulf %parallel_loop3A_237, %get3A_27 : vector<16xf32>
        %parallel_loop3A_271 = arith.constant dense<true> : vector<16xi1>
        %parallel_loop3A_272, %parallel_loop3A_273, %parallel_loop3A_274 = tpu.sort %parallel_loop3A_270, %parallel_loop3A_237 masked %parallel_loop3A_271 {descending = true} : (vector<16xf32>, vector<16xf32>, vector<16xi1>) -> (vector<16xi1>, vector<16xf32>, vector<16xf32>)
        %parallel_loop3A_275 = arith.mulf %parallel_loop3A_241, %get3A_29 : vector<16xf32>
        %parallel_loop3A_276 = arith.constant dense<true> : vector<16xi1>
        %parallel_loop3A_277, %parallel_loop3A_278, %parallel_loop3A_279 = tpu.sort %parallel_loop3A_275, %parallel_loop3A_241 masked %parallel_loop3A_276 : (vector<16xf32>, vector<16xf32>, vector<16xi1>) -> (vector<16xi1>, vector<16xf32>, vector<16xf32>)
        %parallel_loop3A_280 = arith.mulf %parallel_loop3A_245, %get3A_31 : vector<16xf32>
        %parallel_loop3A_281 = arith.constant dense<true> : vector<16xi1>
        %parallel_loop3A_282, %parallel_loop3A_283, %parallel_loop3A_284 = tpu.sort %parallel_loop3A_280, %parallel_loop3A_245 masked %parallel_loop3A_281 {descending = true} : (vector<16xf32>, vector<16xf32>, vector<16xi1>) -> (vector<16xi1>, vector<16xf32>, vector<16xf32>)
        %parallel_loop3A_285 = arith.mulf %parallel_loop3A_249, %get3A_33 : vector<16xf32>
        %parallel_loop3A_286 = arith.constant dense<true> : vector<16xi1>
        %parallel_loop3A_287, %parallel_loop3A_288, %parallel_loop3A_289 = tpu.sort %parallel_loop3A_285, %parallel_loop3A_249 masked %parallel_loop3A_286 : (vector<16xf32>, vector<16xf32>, vector<16xi1>) -> (vector<16xi1>, vector<16xf32>, vector<16xf32>)
        %parallel_loop3A_290 = arith.cmpf oge, %parallel_loop3A_253, %parallel_loop3A_258 : vector<16xf32>
        %parallel_loop3A_291 = arith.maximumf %parallel_loop3A_253, %parallel_loop3A_258 : vector<16xf32>
        %parallel_loop3A_292 = arith.select %parallel_loop3A_290, %parallel_loop3A_254, %parallel_loop3A_259 : vector<16xi1>, vector<16xf32>
        %parallel_loop3A_293 = arith.minimumf %parallel_loop3A_253, %parallel_loop3A_258 : vector<16xf32>
        %parallel_loop3A_294 = arith.select %parallel_loop3A_290, %parallel_loop3A_259, %parallel_loop3A_254 : vector<16xi1>, vector<16xf32>
        %parallel_loop3A_295 = arith.constant dense<true> : vector<16xi1>
        %parallel_loop3A_296, %parallel_loop3A_297, %parallel_loop3A_298 = tpu.sort %parallel_loop3A_291, %parallel_loop3A_292 masked %parallel_loop3A_295 {descending = true} : (vector<16xf32>, vector<16xf32>, vector<16xi1>) -> (vector<16xi1>, vector<16xf32>, vector<16xf32>)
        %parallel_loop3A_299 = arith.constant dense<true> : vector<16xi1>
        %parallel_loop3A_300, %parallel_loop3A_301, %parallel_loop3A_302 = tpu.sort %parallel_loop3A_293, %parallel_loop3A_294 masked %parallel_loop3A_299 {descending = true} : (vector<16xf32>, vector<16xf32>, vector<16xi1>) -> (vector<16xi1>, vector<16xf32>, vector<16xf32>)
        %parallel_loop3A_303 = arith.cmpf oge, %parallel_loop3A_263, %parallel_loop3A_268 : vector<16xf32>
        %parallel_loop3A_304 = arith.maximumf %parallel_loop3A_263, %parallel_loop3A_268 : vector<16xf32>
        %parallel_loop3A_305 = arith.select %parallel_loop3A_303, %parallel_loop3A_264, %parallel_loop3A_269 : vector<16xi1>, vector<16xf32>
        %parallel_loop3A_306 = arith.minimumf %parallel_loop3A_263, %parallel_loop3A_268 : vector<16xf32>
        %parallel_loop3A_307 = arith.select %parallel_loop3A_303, %parallel_loop3A_269, %parallel_loop3A_264 : vector<16xi1>, vector<16xf32>
        %parallel_loop3A_308 = arith.constant dense<true> : vector<16xi1>
        %parallel_loop3A_309, %parallel_loop3A_310, %parallel_loop3A_311 = tpu.sort %parallel_loop3A_306, %parallel_loop3A_307 masked %parallel_loop3A_308 : (vector<16xf32>, vector<16xf32>, vector<16xi1>) -> (vector<16xi1>, vector<16xf32>, vector<16xf32>)
        %parallel_loop3A_312 = arith.constant dense<true> : vector<16xi1>
        %parallel_loop3A_313, %parallel_loop3A_314, %parallel_loop3A_315 = tpu.sort %parallel_loop3A_304, %parallel_loop3A_305 masked %parallel_loop3A_312 : (vector<16xf32>, vector<16xf32>, vector<16xi1>) -> (vector<16xi1>, vector<16xf32>, vector<16xf32>)
        %parallel_loop3A_316 = arith.cmpf oge, %parallel_loop3A_273, %parallel_loop3A_278 : vector<16xf32>
        %parallel_loop3A_317 = arith.maximumf %parallel_loop3A_273, %parallel_loop3A_278 : vector<16xf32>
        %parallel_loop3A_318 = arith.select %parallel_loop3A_316, %parallel_loop3A_274, %parallel_loop3A_279 : vector<16xi1>, vector<16xf32>
        %parallel_loop3A_319 = arith.minimumf %parallel_loop3A_273, %parallel_loop3A_278 : vector<16xf32>
        %parallel_loop3A_320 = arith.select %parallel_loop3A_316, %parallel_loop3A_279, %parallel_loop3A_274 : vector<16xi1>, vector<16xf32>
        %parallel_loop3A_321 = arith.constant dense<true> : vector<16xi1>
        %parallel_loop3A_322, %parallel_loop3A_323, %parallel_loop3A_324 = tpu.sort %parallel_loop3A_317, %parallel_loop3A_318 masked %parallel_loop3A_321 {descending = true} : (vector<16xf32>, vector<16xf32>, vector<16xi1>) -> (vector<16xi1>, vector<16xf32>, vector<16xf32>)
        %parallel_loop3A_325 = arith.constant dense<true> : vector<16xi1>
        %parallel_loop3A_326, %parallel_loop3A_327, %parallel_loop3A_328 = tpu.sort %parallel_loop3A_319, %parallel_loop3A_320 masked %parallel_loop3A_325 {descending = true} : (vector<16xf32>, vector<16xf32>, vector<16xi1>) -> (vector<16xi1>, vector<16xf32>, vector<16xf32>)
        %parallel_loop3A_329 = arith.cmpf oge, %parallel_loop3A_283, %parallel_loop3A_288 : vector<16xf32>
        %parallel_loop3A_330 = arith.maximumf %parallel_loop3A_283, %parallel_loop3A_288 : vector<16xf32>
        %parallel_loop3A_331 = arith.select %parallel_loop3A_329, %parallel_loop3A_284, %parallel_loop3A_289 : vector<16xi1>, vector<16xf32>
        %parallel_loop3A_332 = arith.minimumf %parallel_loop3A_283, %parallel_loop3A_288 : vector<16xf32>
        %parallel_loop3A_333 = arith.select %parallel_loop3A_329, %parallel_loop3A_289, %parallel_loop3A_284 : vector<16xi1>, vector<16xf32>
        %parallel_loop3A_334 = arith.constant dense<true> : vector<16xi1>
        %parallel_loop3A_335, %parallel_loop3A_336, %parallel_loop3A_337 = tpu.sort %parallel_loop3A_332, %parallel_loop3A_333 masked %parallel_loop3A_334 : (vector<16xf32>, vector<16xf32>, vector<16xi1>) -> (vector<16xi1>, vector<16xf32>, vector<16xf32>)
        %parallel_loop3A_338 = arith.constant dense<true> : vector<16xi1>
        %parallel_loop3A_339, %parallel_loop3A_340, %parallel_loop3A_341 = tpu.sort %parallel_loop3A_330, %parallel_loop3A_331 masked %parallel_loop3A_338 : (vector<16xf32>, vector<16xf32>, vector<16xi1>) -> (vector<16xi1>, vector<16xf32>, vector<16xf32>)
        %parallel_loop3A_342 = arith.cmpf oge, %parallel_loop3A_297, %parallel_loop3A_310 : vector<16xf32>
        %parallel_loop3A_343 = arith.maximumf %parallel_loop3A_297, %parallel_loop3A_310 : vector<16xf32>
        %parallel_loop3A_344 = arith.select %parallel_loop3A_342, %parallel_loop3A_298, %parallel_loop3A_311 : vector<16xi1>, vector<16xf32>
        %parallel_loop3A_345 = arith.cmpf oge, %parallel_loop3A_301, %parallel_loop3A_314 : vector<16xf32>
        %parallel_loop3A_346 = arith.maximumf %parallel_loop3A_301, %parallel_loop3A_314 : vector<16xf32>
        %parallel_loop3A_347 = arith.select %parallel_loop3A_345, %parallel_loop3A_302, %parallel_loop3A_315 : vector<16xi1>, vector<16xf32>
        %parallel_loop3A_348 = arith.cmpf oge, %parallel_loop3A_343, %parallel_loop3A_346 : vector<16xf32>
        %parallel_loop3A_349 = arith.maximumf %parallel_loop3A_343, %parallel_loop3A_346 : vector<16xf32>
        %parallel_loop3A_350 = arith.select %parallel_loop3A_348, %parallel_loop3A_344, %parallel_loop3A_347 : vector<16xi1>, vector<16xf32>
        %parallel_loop3A_351 = arith.minimumf %parallel_loop3A_343, %parallel_loop3A_346 : vector<16xf32>
        %parallel_loop3A_352 = arith.select %parallel_loop3A_348, %parallel_loop3A_347, %parallel_loop3A_344 : vector<16xi1>, vector<16xf32>
        %parallel_loop3A_353 = arith.constant dense<true> : vector<16xi1>
        %parallel_loop3A_354, %parallel_loop3A_355, %parallel_loop3A_356 = tpu.sort %parallel_loop3A_349, %parallel_loop3A_350 masked %parallel_loop3A_353 {descending = true} : (vector<16xf32>, vector<16xf32>, vector<16xi1>) -> (vector<16xi1>, vector<16xf32>, vector<16xf32>)
        %parallel_loop3A_357 = arith.constant dense<true> : vector<16xi1>
        %parallel_loop3A_358, %parallel_loop3A_359, %parallel_loop3A_360 = tpu.sort %parallel_loop3A_351, %parallel_loop3A_352 masked %parallel_loop3A_357 {descending = true} : (vector<16xf32>, vector<16xf32>, vector<16xi1>) -> (vector<16xi1>, vector<16xf32>, vector<16xf32>)
        %parallel_loop3A_361 = arith.cmpf oge, %parallel_loop3A_323, %parallel_loop3A_336 : vector<16xf32>
        %parallel_loop3A_362 = arith.maximumf %parallel_loop3A_323, %parallel_loop3A_336 : vector<16xf32>
        %parallel_loop3A_363 = arith.select %parallel_loop3A_361, %parallel_loop3A_324, %parallel_loop3A_337 : vector<16xi1>, vector<16xf32>
        %parallel_loop3A_364 = arith.cmpf oge, %parallel_loop3A_327, %parallel_loop3A_340 : vector<16xf32>
        %parallel_loop3A_365 = arith.maximumf %parallel_loop3A_327, %parallel_loop3A_340 : vector<16xf32>
        %parallel_loop3A_366 = arith.select %parallel_loop3A_364, %parallel_loop3A_328, %parallel_loop3A_341 : vector<16xi1>, vector<16xf32>
        %parallel_loop3A_367 = arith.cmpf oge, %parallel_loop3A_362, %parallel_loop3A_365 : vector<16xf32>
        %parallel_loop3A_368 = arith.maximumf %parallel_loop3A_362, %parallel_loop3A_365 : vector<16xf32>
        %parallel_loop3A_369 = arith.select %parallel_loop3A_367, %parallel_loop3A_363, %parallel_loop3A_366 : vector<16xi1>, vector<16xf32>
        %parallel_loop3A_370 = arith.minimumf %parallel_loop3A_362, %parallel_loop3A_365 : vector<16xf32>
        %parallel_loop3A_371 = arith.select %parallel_loop3A_367, %parallel_loop3A_366, %parallel_loop3A_363 : vector<16xi1>, vector<16xf32>
        %parallel_loop3A_372 = arith.constant dense<true> : vector<16xi1>
        %parallel_loop3A_373, %parallel_loop3A_374, %parallel_loop3A_375 = tpu.sort %parallel_loop3A_370, %parallel_loop3A_371 masked %parallel_loop3A_372 : (vector<16xf32>, vector<16xf32>, vector<16xi1>) -> (vector<16xi1>, vector<16xf32>, vector<16xf32>)
        %parallel_loop3A_376 = arith.constant dense<true> : vector<16xi1>
        %parallel_loop3A_377, %parallel_loop3A_378, %parallel_loop3A_379 = tpu.sort %parallel_loop3A_368, %parallel_loop3A_369 masked %parallel_loop3A_376 : (vector<16xf32>, vector<16xf32>, vector<16xi1>) -> (vector<16xi1>, vector<16xf32>, vector<16xf32>)
        %parallel_loop3A_380 = arith.cmpf oge, %parallel_loop3A_355, %parallel_loop3A_374 : vector<16xf32>
        %parallel_loop3A_381 = arith.maximumf %parallel_loop3A_355, %parallel_loop3A_374 : vector<16xf32>
        %parallel_loop3A_382 = arith.select %parallel_loop3A_380, %parallel_loop3A_356, %parallel_loop3A_375 : vector<16xi1>, vector<16xf32>
        %parallel_loop3A_383 = arith.cmpf oge, %parallel_loop3A_359, %parallel_loop3A_378 : vector<16xf32>
        %parallel_loop3A_384 = arith.maximumf %parallel_loop3A_359, %parallel_loop3A_378 : vector<16xf32>
        %parallel_loop3A_385 = arith.select %parallel_loop3A_383, %parallel_loop3A_360, %parallel_loop3A_379 : vector<16xi1>, vector<16xf32>
        %parallel_loop3A_386 = arith.cmpf oge, %parallel_loop3A_381, %parallel_loop3A_384 : vector<16xf32>
        %parallel_loop3A_387 = arith.maximumf %parallel_loop3A_381, %parallel_loop3A_384 : vector<16xf32>
        %parallel_loop3A_388 = arith.select %parallel_loop3A_386, %parallel_loop3A_382, %parallel_loop3A_385 : vector<16xi1>, vector<16xf32>
        %parallel_loop3A_389 = arith.minimumf %parallel_loop3A_381, %parallel_loop3A_384 : vector<16xf32>
        %parallel_loop3A_390 = arith.select %parallel_loop3A_386, %parallel_loop3A_385, %parallel_loop3A_382 : vector<16xi1>, vector<16xf32>
        %parallel_loop3A_391 = arith.constant dense<true> : vector<16xi1>
        %parallel_loop3A_392, %parallel_loop3A_393, %parallel_loop3A_394 = tpu.sort %parallel_loop3A_387, %parallel_loop3A_388 masked %parallel_loop3A_391 {descending = true} : (vector<16xf32>, vector<16xf32>, vector<16xi1>) -> (vector<16xi1>, vector<16xf32>, vector<16xf32>)
        %parallel_loop3A_395 = arith.constant dense<true> : vector<16xi1>
        %parallel_loop3A_396, %parallel_loop3A_397, %parallel_loop3A_398 = tpu.sort %parallel_loop3A_389, %parallel_loop3A_390 masked %parallel_loop3A_395 {descending = true} : (vector<16xf32>, vector<16xf32>, vector<16xi1>) -> (vector<16xi1>, vector<16xf32>, vector<16xf32>)
        %parallel_loop3A_399 = arith.mulf %parallel_loop3A_393, %mul3A_87 : vector<16xf32>
        %parallel_loop3A_400 = arith.constant 4.000000e+01 : f32
        %parallel_loop3A_401 = vector.broadcast %parallel_loop3A_400 : f32 to vector<16xf32>
        %parallel_loop3A_402 = arith.minimumf %parallel_loop3A_399, %parallel_loop3A_401 : vector<16xf32>
        %parallel_loop3A_403 = math.exp %parallel_loop3A_402 : vector<16xf32>
        %parallel_loop3A_404 = arith.constant 1.000000e+00 : f32
        %parallel_loop3A_405 = vector.broadcast %parallel_loop3A_404 : f32 to vector<16xf32>
        %parallel_loop3A_406 = arith.subf %parallel_loop3A_403, %parallel_loop3A_405 : vector<16xf32>
        %parallel_loop3A_407 = arith.constant 1.000000e+00 : f32
        %parallel_loop3A_408 = vector.broadcast %parallel_loop3A_407 : f32 to vector<16xf32>
        %parallel_loop3A_409 = arith.addf %parallel_loop3A_403, %parallel_loop3A_408 : vector<16xf32>
        %parallel_loop3A_410 = arith.divf %parallel_loop3A_406, %parallel_loop3A_409 : vector<16xf32>
        %parallel_loop3A_411 = arith.mulf %parallel_loop3A_394, %parallel_loop3A_410 : vector<16xf32>
        %parallel_loop3A_412 = arith.mulf %parallel_loop3A_397, %mul3A_87 : vector<16xf32>
        %parallel_loop3A_413 = arith.constant 4.000000e+01 : f32
        %parallel_loop3A_414 = vector.broadcast %parallel_loop3A_413 : f32 to vector<16xf32>
        %parallel_loop3A_415 = arith.minimumf %parallel_loop3A_412, %parallel_loop3A_414 : vector<16xf32>
        %parallel_loop3A_416 = math.exp %parallel_loop3A_415 : vector<16xf32>
        %parallel_loop3A_417 = arith.constant 1.000000e+00 : f32
        %parallel_loop3A_418 = vector.broadcast %parallel_loop3A_417 : f32 to vector<16xf32>
        %parallel_loop3A_419 = arith.subf %parallel_loop3A_416, %parallel_loop3A_418 : vector<16xf32>
        %parallel_loop3A_420 = arith.constant 1.000000e+00 : f32
        %parallel_loop3A_421 = vector.broadcast %parallel_loop3A_420 : f32 to vector<16xf32>
        %parallel_loop3A_422 = arith.addf %parallel_loop3A_416, %parallel_loop3A_421 : vector<16xf32>
        %parallel_loop3A_423 = arith.divf %parallel_loop3A_419, %parallel_loop3A_422 : vector<16xf32>
        %parallel_loop3A_424 = arith.mulf %parallel_loop3A_398, %parallel_loop3A_423 : vector<16xf32>
        %parallel_loop3A_425 = arith.index_cast %rem3A_167 : i32 to index
        %parallel_loop3A_426 = arith.index_cast %parallel_loop3A_217 : i32 to index
        %parallel_loop3A_427 = arith.constant 0 : index
        %parallel_loop3A_428 = tpu.vector_load %arg7[%parallel_loop3A_425, %parallel_loop3A_426, %parallel_loop3A_427] {strides = array<i32>} : memref<2x200x32xf32, #tpu.memory_space<vmem>>, vector<16xf32>,
        tpu.vector_store %arg7[%parallel_loop3A_425, %parallel_loop3A_426, %parallel_loop3A_427], %parallel_loop3A_411 {strides = array<i32>} : memref<2x200x32xf32, #tpu.memory_space<vmem>>, vector<16xf32>,
        %parallel_loop3A_429 = arith.index_cast %rem3A_167 : i32 to index
        %parallel_loop3A_430 = arith.index_cast %parallel_loop3A_217 : i32 to index
        %parallel_loop3A_431 = arith.constant 16 : index
        %parallel_loop3A_432 = tpu.vector_load %arg7[%parallel_loop3A_429, %parallel_loop3A_430, %parallel_loop3A_431] {strides = array<i32>} : memref<2x200x32xf32, #tpu.memory_space<vmem>>, vector<16xf32>,
        tpu.vector_store %arg7[%parallel_loop3A_429, %parallel_loop3A_430, %parallel_loop3A_431], %parallel_loop3A_424 {strides = array<i32>} : memref<2x200x32xf32, #tpu.memory_space<vmem>>, vector<16xf32>,
      } {sc.loop_unroll_factor = 2 : i64, sc.parallel_access}
      %mul3A_198 = arith.constant 32 : i32
      %mul3A_199 = arith.muli %while3A_165, %mul3A_198 : i32
      %add3A_200 = arith.addi %add3A, %mul3A_199 : i32
      %mul3A_201 = arith.constant 200 : i32
      %mul3A_202 = arith.muli %add3A_200, %mul3A_201 : i32
      %dma_start3A_203 = arith.constant 0 : i32
      %dma_start3A_204 = arith.constant 0 : i32
      %dma_start3A_205 = tpu.memref_slice %arg7[%rem3A_167, %dma_start3A_203, %dma_start3A_204] : memref<2x200x32xf32, #tpu.memory_space<vmem>> -> memref<1x200x32xf32, #tpu.memory_space<vmem>>
      %dma_start3A_206 = tpu.memref_squeeze %dma_start3A_205 : memref<1x200x32xf32, #tpu.memory_space<vmem>> -> memref<200x32xf32, #tpu.memory_space<vmem>>
      %dma_start3A_207 = arith.constant 0 : i32
      %dma_start3A_208 = tpu.memref_slice %arg4[%mul3A_202, %dma_start3A_207] : memref<100000x32xf32, #tpu.memory_space<hbm>> -> memref<200x32xf32, #tpu.memory_space<hbm>>
      %dma_start3A_209 = tpu.memref_slice %arg9[%rem3A_167] : memref<2x!tpu.dma_semaphore, #tpu.memory_space<semaphore_mem>> -> memref<1x!tpu.dma_semaphore, #tpu.memory_space<semaphore_mem>>
      %dma_start3A_210 = tpu.memref_squeeze %dma_start3A_209 : memref<1x!tpu.dma_semaphore, #tpu.memory_space<semaphore_mem>> -> memref<!tpu.dma_semaphore, #tpu.memory_space<semaphore_mem>>
      %dma_start3A_211 = arith.constant 0 : i32
      %dma_start3A_212 = tpu.memref_slice %arg4[%mul3A_202, %dma_start3A_211] : memref<100000x32xf32, #tpu.memory_space<hbm>> -> memref<200x32xf32, #tpu.memory_space<hbm>>
      %dma_start3A_213 = arith.constant 0 : i32
      %dma_start3A_214 = arith.constant 0 : i32
      %dma_start3A_215 = tpu.memref_slice %arg7[%rem3A_167, %dma_start3A_213, %dma_start3A_214] : memref<2x200x32xf32, #tpu.memory_space<vmem>> -> memref<1x200x32xf32, #tpu.memory_space<vmem>>
      %dma_start3A_216 = tpu.memref_squeeze %dma_start3A_215 : memref<1x200x32xf32, #tpu.memory_space<vmem>> -> memref<200x32xf32, #tpu.memory_space<vmem>>
      tpu.enqueue_dma source(%dma_start3A_216 : memref<200x32xf32, #tpu.memory_space<vmem>>) target(%dma_start3A_212 : memref<200x32xf32, #tpu.memory_space<hbm>>) target_semaphore(%dma_start3A_210 : memref<!tpu.dma_semaphore, #tpu.memory_space<semaphore_mem>>)
    }
    %while3A_115 = arith.constant 1 : i32
    scf.for %while3A_165 = %while3A_113 to %while3A_109 step %while3A_115  : i32 {
      %rem3A_166 = arith.constant 2 : i32
      %rem3A_167 = arith.remsi %while3A_165, %rem3A_166 : i32
      %sub3A_168 = arith.constant 1 : i32
      %sub3A_169 = arith.subi %sub3A_168, %rem3A_167 : i32
      %add3A_170 = arith.constant 1 : i32
      %add3A_171 = arith.addi %while3A_165, %add3A_170 : i32
      %lt3A = arith.cmpi slt, %add3A_171, %select_n3A : i32
      %convert_element_type3A = arith.extui %lt3A : i1 to i32
      %cond3A = arith.constant 0 : i32
      %cond3A_172 = arith.cmpi ne, %convert_element_type3A, %cond3A : i32
      scf.if %cond3A_172 {
        %add3A_217 = arith.constant 1 : i32
        %add3A_218 = arith.addi %while3A_165, %add3A_217 : i32
        %mul3A_219 = arith.constant 32 : i32
        %mul3A_220 = arith.muli %add3A_218, %mul3A_219 : i32
        %add3A_221 = arith.addi %add3A, %mul3A_220 : i32
        %mul3A_222 = arith.constant 200 : i32
        %mul3A_223 = arith.muli %add3A_221, %mul3A_222 : i32
        %dma_start3A_224 = arith.constant 0 : i32
        %dma_start3A_225 = arith.constant 0 : i32
        %dma_start3A_226 = tpu.memref_slice %arg6[%sub3A_169, %dma_start3A_224, %dma_start3A_225] : memref<2x200x128xf32, #tpu.memory_space<vmem>> -> memref<1x200x128xf32, #tpu.memory_space<vmem>>
        %dma_start3A_227 = tpu.memref_squeeze %dma_start3A_226 : memref<1x200x128xf32, #tpu.memory_space<vmem>> -> memref<200x128xf32, #tpu.memory_space<vmem>>
        %dma_start3A_228 = arith.constant 0 : i32
        %dma_start3A_229 = tpu.memref_slice %arg2[%mul3A_223, %dma_start3A_228] : memref<100000x128xf32, #tpu.memory_space<hbm>> -> memref<200x128xf32, #tpu.memory_space<hbm>>
        %dma_start3A_230 = tpu.memref_slice %arg8[%sub3A_169] : memref<2x!tpu.dma_semaphore, #tpu.memory_space<semaphore_mem>> -> memref<1x!tpu.dma_semaphore, #tpu.memory_space<semaphore_mem>>
        %dma_start3A_231 = tpu.memref_squeeze %dma_start3A_230 : memref<1x!tpu.dma_semaphore, #tpu.memory_space<semaphore_mem>> -> memref<!tpu.dma_semaphore, #tpu.memory_space<semaphore_mem>>
        %dma_start3A_232 = arith.constant 0 : i32
        %dma_start3A_233 = arith.constant 0 : i32
        %dma_start3A_234 = tpu.memref_slice %arg6[%sub3A_169, %dma_start3A_232, %dma_start3A_233] : memref<2x200x128xf32, #tpu.memory_space<vmem>> -> memref<1x200x128xf32, #tpu.memory_space<vmem>>
        %dma_start3A_235 = tpu.memref_squeeze %dma_start3A_234 : memref<1x200x128xf32, #tpu.memory_space<vmem>> -> memref<200x128xf32, #tpu.memory_space<vmem>>
        %dma_start3A_236 = arith.constant 0 : i32
        %dma_start3A_237 = tpu.memref_slice %arg2[%mul3A_223, %dma_start3A_236] : memref<100000x128xf32, #tpu.memory_space<hbm>> -> memref<200x128xf32, #tpu.memory_space<hbm>>
        tpu.enqueue_dma source(%dma_start3A_237 : memref<200x128xf32, #tpu.memory_space<hbm>>) target(%dma_start3A_235 : memref<200x128xf32, #tpu.memory_space<vmem>>) target_semaphore(%dma_start3A_231 : memref<!tpu.dma_semaphore, #tpu.memory_space<semaphore_mem>>)
      } else {
      }
      %mul3A_173 = arith.constant 32 : i32
      %mul3A_174 = arith.muli %while3A_165, %mul3A_173 : i32
      %add3A_175 = arith.addi %add3A, %mul3A_174 : i32
      %mul3A_176 = arith.constant 200 : i32
      %mul3A_177 = arith.muli %add3A_175, %mul3A_176 : i32
      %dma_wait3A_178 = arith.constant 0 : i32
      %dma_wait3A_179 = arith.constant 0 : i32
      %dma_wait3A_180 = tpu.memref_slice %arg6[%rem3A_167, %dma_wait3A_178, %dma_wait3A_179] : memref<2x200x128xf32, #tpu.memory_space<vmem>> -> memref<1x200x128xf32, #tpu.memory_space<vmem>>
      %dma_wait3A_181 = tpu.memref_squeeze %dma_wait3A_180 : memref<1x200x128xf32, #tpu.memory_space<vmem>> -> memref<200x128xf32, #tpu.memory_space<vmem>>
      %dma_wait3A_182 = arith.constant 0 : i32
      %dma_wait3A_183 = tpu.memref_slice %arg2[%mul3A_177, %dma_wait3A_182] : memref<100000x128xf32, #tpu.memory_space<hbm>> -> memref<200x128xf32, #tpu.memory_space<hbm>>
      %dma_wait3A_184 = tpu.memref_slice %arg8[%rem3A_167] : memref<2x!tpu.dma_semaphore, #tpu.memory_space<semaphore_mem>> -> memref<1x!tpu.dma_semaphore, #tpu.memory_space<semaphore_mem>>
      %dma_wait3A_185 = tpu.memref_squeeze %dma_wait3A_184 : memref<1x!tpu.dma_semaphore, #tpu.memory_space<semaphore_mem>> -> memref<!tpu.dma_semaphore, #tpu.memory_space<semaphore_mem>>
      %dma_wait3A_186 = arith.constant 0 : i32
      %dma_wait3A_187 = arith.constant 0 : i32
      %dma_wait3A_188 = tpu.memref_slice %arg6[%rem3A_167, %dma_wait3A_186, %dma_wait3A_187] : memref<2x200x128xf32, #tpu.memory_space<vmem>> -> memref<1x200x128xf32, #tpu.memory_space<vmem>>
      %dma_wait3A_189 = tpu.memref_squeeze %dma_wait3A_188 : memref<1x200x128xf32, #tpu.memory_space<vmem>> -> memref<200x128xf32, #tpu.memory_space<vmem>>
      %dma_wait3A_190 = arith.constant 0 : i32
      %dma_wait3A_191 = tpu.memref_slice %arg2[%mul3A_177, %dma_wait3A_190] : memref<100000x128xf32, #tpu.memory_space<hbm>> -> memref<200x128xf32, #tpu.memory_space<hbm>>
      tpu.wait_dma2 semaphore(%dma_wait3A_185 : memref<!tpu.dma_semaphore, #tpu.memory_space<semaphore_mem>>) src(%dma_wait3A_191 : memref<200x128xf32, #tpu.memory_space<hbm>>) dst(%dma_wait3A_189 : memref<200x128xf32, #tpu.memory_space<vmem>>)
      %ge3A = arith.constant 2 : i32
      %ge3A_192 = arith.cmpi sge, %while3A_165, %ge3A : i32
      %convert_element_type3A_193 = arith.extui %ge3A_192 : i1 to i32
      %cond3A_194 = arith.constant 0 : i32
      %cond3A_195 = arith.cmpi ne, %convert_element_type3A_193, %cond3A_194 : i32
      scf.if %cond3A_195 {
        %sub3A_217 = arith.constant 2 : i32
        %sub3A_218 = arith.subi %while3A_165, %sub3A_217 : i32
        %mul3A_219 = arith.constant 32 : i32
        %mul3A_220 = arith.muli %sub3A_218, %mul3A_219 : i32
        %add3A_221 = arith.addi %add3A, %mul3A_220 : i32
        %mul3A_222 = arith.constant 200 : i32
        %mul3A_223 = arith.muli %add3A_221, %mul3A_222 : i32
        %dma_wait3A_224 = arith.constant 0 : i32
        %dma_wait3A_225 = arith.constant 0 : i32
        %dma_wait3A_226 = tpu.memref_slice %arg7[%rem3A_167, %dma_wait3A_224, %dma_wait3A_225] : memref<2x200x32xf32, #tpu.memory_space<vmem>> -> memref<1x200x32xf32, #tpu.memory_space<vmem>>
        %dma_wait3A_227 = tpu.memref_squeeze %dma_wait3A_226 : memref<1x200x32xf32, #tpu.memory_space<vmem>> -> memref<200x32xf32, #tpu.memory_space<vmem>>
        %dma_wait3A_228 = arith.constant 0 : i32
        %dma_wait3A_229 = tpu.memref_slice %arg4[%mul3A_223, %dma_wait3A_228] : memref<100000x32xf32, #tpu.memory_space<hbm>> -> memref<200x32xf32, #tpu.memory_space<hbm>>
        %dma_wait3A_230 = tpu.memref_slice %arg9[%rem3A_167] : memref<2x!tpu.dma_semaphore, #tpu.memory_space<semaphore_mem>> -> memref<1x!tpu.dma_semaphore, #tpu.memory_space<semaphore_mem>>
        %dma_wait3A_231 = tpu.memref_squeeze %dma_wait3A_230 : memref<1x!tpu.dma_semaphore, #tpu.memory_space<semaphore_mem>> -> memref<!tpu.dma_semaphore, #tpu.memory_space<semaphore_mem>>
        %dma_wait3A_232 = arith.constant 0 : i32
        %dma_wait3A_233 = tpu.memref_slice %arg4[%mul3A_223, %dma_wait3A_232] : memref<100000x32xf32, #tpu.memory_space<hbm>> -> memref<200x32xf32, #tpu.memory_space<hbm>>
        %dma_wait3A_234 = arith.constant 0 : i32
        %dma_wait3A_235 = arith.constant 0 : i32
        %dma_wait3A_236 = tpu.memref_slice %arg7[%rem3A_167, %dma_wait3A_234, %dma_wait3A_235] : memref<2x200x32xf32, #tpu.memory_space<vmem>> -> memref<1x200x32xf32, #tpu.memory_space<vmem>>
        %dma_wait3A_237 = tpu.memref_squeeze %dma_wait3A_236 : memref<1x200x32xf32, #tpu.memory_space<vmem>> -> memref<200x32xf32, #tpu.memory_space<vmem>>
        tpu.wait_dma2 semaphore(%dma_wait3A_231 : memref<!tpu.dma_semaphore, #tpu.memory_space<semaphore_mem>>) src(%dma_wait3A_237 : memref<200x32xf32, #tpu.memory_space<vmem>>) dst(%dma_wait3A_233 : memref<200x32xf32, #tpu.memory_space<hbm>>)
      } else {
      }
      %parallel_loop3A = arith.constant 0 : i32
      %parallel_loop3A_196 = arith.constant 200 : i32
      %parallel_loop3A_197 = arith.constant 1 : i32
      scf.for %parallel_loop3A_217 = %parallel_loop3A to %parallel_loop3A_196 step %parallel_loop3A_197  : i32 {
        %parallel_loop3A_218 = arith.index_cast %rem3A_167 : i32 to index
        %parallel_loop3A_219 = arith.index_cast %parallel_loop3A_217 : i32 to index
        %parallel_loop3A_220 = arith.constant 0 : index
        %parallel_loop3A_221 = tpu.vector_load %arg6[%parallel_loop3A_218, %parallel_loop3A_219, %parallel_loop3A_220] {strides = array<i32>} : memref<2x200x128xf32, #tpu.memory_space<vmem>>, vector<16xf32>,
        %parallel_loop3A_222 = arith.index_cast %rem3A_167 : i32 to index
        %parallel_loop3A_223 = arith.index_cast %parallel_loop3A_217 : i32 to index
        %parallel_loop3A_224 = arith.constant 16 : index
        %parallel_loop3A_225 = tpu.vector_load %arg6[%parallel_loop3A_222, %parallel_loop3A_223, %parallel_loop3A_224] {strides = array<i32>} : memref<2x200x128xf32, #tpu.memory_space<vmem>>, vector<16xf32>,
        %parallel_loop3A_226 = arith.index_cast %rem3A_167 : i32 to index
        %parallel_loop3A_227 = arith.index_cast %parallel_loop3A_217 : i32 to index
        %parallel_loop3A_228 = arith.constant 32 : index
        %parallel_loop3A_229 = tpu.vector_load %arg6[%parallel_loop3A_226, %parallel_loop3A_227, %parallel_loop3A_228] {strides = array<i32>} : memref<2x200x128xf32, #tpu.memory_space<vmem>>, vector<16xf32>,
        %parallel_loop3A_230 = arith.index_cast %rem3A_167 : i32 to index
        %parallel_loop3A_231 = arith.index_cast %parallel_loop3A_217 : i32 to index
        %parallel_loop3A_232 = arith.constant 48 : index
        %parallel_loop3A_233 = tpu.vector_load %arg6[%parallel_loop3A_230, %parallel_loop3A_231, %parallel_loop3A_232] {strides = array<i32>} : memref<2x200x128xf32, #tpu.memory_space<vmem>>, vector<16xf32>,
        %parallel_loop3A_234 = arith.index_cast %rem3A_167 : i32 to index
        %parallel_loop3A_235 = arith.index_cast %parallel_loop3A_217 : i32 to index
        %parallel_loop3A_236 = arith.constant 64 : index
        %parallel_loop3A_237 = tpu.vector_load %arg6[%parallel_loop3A_234, %parallel_loop3A_235, %parallel_loop3A_236] {strides = array<i32>} : memref<2x200x128xf32, #tpu.memory_space<vmem>>, vector<16xf32>,
        %parallel_loop3A_238 = arith.index_cast %rem3A_167 : i32 to index
        %parallel_loop3A_239 = arith.index_cast %parallel_loop3A_217 : i32 to index
        %parallel_loop3A_240 = arith.constant 80 : index
        %parallel_loop3A_241 = tpu.vector_load %arg6[%parallel_loop3A_238, %parallel_loop3A_239, %parallel_loop3A_240] {strides = array<i32>} : memref<2x200x128xf32, #tpu.memory_space<vmem>>, vector<16xf32>,
        %parallel_loop3A_242 = arith.index_cast %rem3A_167 : i32 to index
        %parallel_loop3A_243 = arith.index_cast %parallel_loop3A_217 : i32 to index
        %parallel_loop3A_244 = arith.constant 96 : index
        %parallel_loop3A_245 = tpu.vector_load %arg6[%parallel_loop3A_242, %parallel_loop3A_243, %parallel_loop3A_244] {strides = array<i32>} : memref<2x200x128xf32, #tpu.memory_space<vmem>>, vector<16xf32>,
        %parallel_loop3A_246 = arith.index_cast %rem3A_167 : i32 to index
        %parallel_loop3A_247 = arith.index_cast %parallel_loop3A_217 : i32 to index
        %parallel_loop3A_248 = arith.constant 112 : index
        %parallel_loop3A_249 = tpu.vector_load %arg6[%parallel_loop3A_246, %parallel_loop3A_247, %parallel_loop3A_248] {strides = array<i32>} : memref<2x200x128xf32, #tpu.memory_space<vmem>>, vector<16xf32>,
        %parallel_loop3A_250 = arith.mulf %parallel_loop3A_221, %get3A_19 : vector<16xf32>
        %parallel_loop3A_251 = arith.constant dense<true> : vector<16xi1>
        %parallel_loop3A_252, %parallel_loop3A_253, %parallel_loop3A_254 = tpu.sort %parallel_loop3A_250, %parallel_loop3A_221 masked %parallel_loop3A_251 {descending = true} : (vector<16xf32>, vector<16xf32>, vector<16xi1>) -> (vector<16xi1>, vector<16xf32>, vector<16xf32>)
        %parallel_loop3A_255 = arith.mulf %parallel_loop3A_225, %get3A_21 : vector<16xf32>
        %parallel_loop3A_256 = arith.constant dense<true> : vector<16xi1>
        %parallel_loop3A_257, %parallel_loop3A_258, %parallel_loop3A_259 = tpu.sort %parallel_loop3A_255, %parallel_loop3A_225 masked %parallel_loop3A_256 : (vector<16xf32>, vector<16xf32>, vector<16xi1>) -> (vector<16xi1>, vector<16xf32>, vector<16xf32>)
        %parallel_loop3A_260 = arith.mulf %parallel_loop3A_229, %get3A_23 : vector<16xf32>
        %parallel_loop3A_261 = arith.constant dense<true> : vector<16xi1>
        %parallel_loop3A_262, %parallel_loop3A_263, %parallel_loop3A_264 = tpu.sort %parallel_loop3A_260, %parallel_loop3A_229 masked %parallel_loop3A_261 {descending = true} : (vector<16xf32>, vector<16xf32>, vector<16xi1>) -> (vector<16xi1>, vector<16xf32>, vector<16xf32>)
        %parallel_loop3A_265 = arith.mulf %parallel_loop3A_233, %get3A_25 : vector<16xf32>
        %parallel_loop3A_266 = arith.constant dense<true> : vector<16xi1>
        %parallel_loop3A_267, %parallel_loop3A_268, %parallel_loop3A_269 = tpu.sort %parallel_loop3A_265, %parallel_loop3A_233 masked %parallel_loop3A_266 : (vector<16xf32>, vector<16xf32>, vector<16xi1>) -> (vector<16xi1>, vector<16xf32>, vector<16xf32>)
        %parallel_loop3A_270 = arith.mulf %parallel_loop3A_237, %get3A_27 : vector<16xf32>
        %parallel_loop3A_271 = arith.constant dense<true> : vector<16xi1>
        %parallel_loop3A_272, %parallel_loop3A_273, %parallel_loop3A_274 = tpu.sort %parallel_loop3A_270, %parallel_loop3A_237 masked %parallel_loop3A_271 {descending = true} : (vector<16xf32>, vector<16xf32>, vector<16xi1>) -> (vector<16xi1>, vector<16xf32>, vector<16xf32>)
        %parallel_loop3A_275 = arith.mulf %parallel_loop3A_241, %get3A_29 : vector<16xf32>
        %parallel_loop3A_276 = arith.constant dense<true> : vector<16xi1>
        %parallel_loop3A_277, %parallel_loop3A_278, %parallel_loop3A_279 = tpu.sort %parallel_loop3A_275, %parallel_loop3A_241 masked %parallel_loop3A_276 : (vector<16xf32>, vector<16xf32>, vector<16xi1>) -> (vector<16xi1>, vector<16xf32>, vector<16xf32>)
        %parallel_loop3A_280 = arith.mulf %parallel_loop3A_245, %get3A_31 : vector<16xf32>
        %parallel_loop3A_281 = arith.constant dense<true> : vector<16xi1>
        %parallel_loop3A_282, %parallel_loop3A_283, %parallel_loop3A_284 = tpu.sort %parallel_loop3A_280, %parallel_loop3A_245 masked %parallel_loop3A_281 {descending = true} : (vector<16xf32>, vector<16xf32>, vector<16xi1>) -> (vector<16xi1>, vector<16xf32>, vector<16xf32>)
        %parallel_loop3A_285 = arith.mulf %parallel_loop3A_249, %get3A_33 : vector<16xf32>
        %parallel_loop3A_286 = arith.constant dense<true> : vector<16xi1>
        %parallel_loop3A_287, %parallel_loop3A_288, %parallel_loop3A_289 = tpu.sort %parallel_loop3A_285, %parallel_loop3A_249 masked %parallel_loop3A_286 : (vector<16xf32>, vector<16xf32>, vector<16xi1>) -> (vector<16xi1>, vector<16xf32>, vector<16xf32>)
        %parallel_loop3A_290 = arith.cmpf oge, %parallel_loop3A_253, %parallel_loop3A_258 : vector<16xf32>
        %parallel_loop3A_291 = arith.maximumf %parallel_loop3A_253, %parallel_loop3A_258 : vector<16xf32>
        %parallel_loop3A_292 = arith.select %parallel_loop3A_290, %parallel_loop3A_254, %parallel_loop3A_259 : vector<16xi1>, vector<16xf32>
        %parallel_loop3A_293 = arith.minimumf %parallel_loop3A_253, %parallel_loop3A_258 : vector<16xf32>
        %parallel_loop3A_294 = arith.select %parallel_loop3A_290, %parallel_loop3A_259, %parallel_loop3A_254 : vector<16xi1>, vector<16xf32>
        %parallel_loop3A_295 = arith.constant dense<true> : vector<16xi1>
        %parallel_loop3A_296, %parallel_loop3A_297, %parallel_loop3A_298 = tpu.sort %parallel_loop3A_291, %parallel_loop3A_292 masked %parallel_loop3A_295 {descending = true} : (vector<16xf32>, vector<16xf32>, vector<16xi1>) -> (vector<16xi1>, vector<16xf32>, vector<16xf32>)
        %parallel_loop3A_299 = arith.constant dense<true> : vector<16xi1>
        %parallel_loop3A_300, %parallel_loop3A_301, %parallel_loop3A_302 = tpu.sort %parallel_loop3A_293, %parallel_loop3A_294 masked %parallel_loop3A_299 {descending = true} : (vector<16xf32>, vector<16xf32>, vector<16xi1>) -> (vector<16xi1>, vector<16xf32>, vector<16xf32>)
        %parallel_loop3A_303 = arith.cmpf oge, %parallel_loop3A_263, %parallel_loop3A_268 : vector<16xf32>
        %parallel_loop3A_304 = arith.maximumf %parallel_loop3A_263, %parallel_loop3A_268 : vector<16xf32>
        %parallel_loop3A_305 = arith.select %parallel_loop3A_303, %parallel_loop3A_264, %parallel_loop3A_269 : vector<16xi1>, vector<16xf32>
        %parallel_loop3A_306 = arith.minimumf %parallel_loop3A_263, %parallel_loop3A_268 : vector<16xf32>
        %parallel_loop3A_307 = arith.select %parallel_loop3A_303, %parallel_loop3A_269, %parallel_loop3A_264 : vector<16xi1>, vector<16xf32>
        %parallel_loop3A_308 = arith.constant dense<true> : vector<16xi1>
        %parallel_loop3A_309, %parallel_loop3A_310, %parallel_loop3A_311 = tpu.sort %parallel_loop3A_306, %parallel_loop3A_307 masked %parallel_loop3A_308 : (vector<16xf32>, vector<16xf32>, vector<16xi1>) -> (vector<16xi1>, vector<16xf32>, vector<16xf32>)
        %parallel_loop3A_312 = arith.constant dense<true> : vector<16xi1>
        %parallel_loop3A_313, %parallel_loop3A_314, %parallel_loop3A_315 = tpu.sort %parallel_loop3A_304, %parallel_loop3A_305 masked %parallel_loop3A_312 : (vector<16xf32>, vector<16xf32>, vector<16xi1>) -> (vector<16xi1>, vector<16xf32>, vector<16xf32>)
        %parallel_loop3A_316 = arith.cmpf oge, %parallel_loop3A_273, %parallel_loop3A_278 : vector<16xf32>
        %parallel_loop3A_317 = arith.maximumf %parallel_loop3A_273, %parallel_loop3A_278 : vector<16xf32>
        %parallel_loop3A_318 = arith.select %parallel_loop3A_316, %parallel_loop3A_274, %parallel_loop3A_279 : vector<16xi1>, vector<16xf32>
        %parallel_loop3A_319 = arith.minimumf %parallel_loop3A_273, %parallel_loop3A_278 : vector<16xf32>
        %parallel_loop3A_320 = arith.select %parallel_loop3A_316, %parallel_loop3A_279, %parallel_loop3A_274 : vector<16xi1>, vector<16xf32>
        %parallel_loop3A_321 = arith.constant dense<true> : vector<16xi1>
        %parallel_loop3A_322, %parallel_loop3A_323, %parallel_loop3A_324 = tpu.sort %parallel_loop3A_317, %parallel_loop3A_318 masked %parallel_loop3A_321 {descending = true} : (vector<16xf32>, vector<16xf32>, vector<16xi1>) -> (vector<16xi1>, vector<16xf32>, vector<16xf32>)
        %parallel_loop3A_325 = arith.constant dense<true> : vector<16xi1>
        %parallel_loop3A_326, %parallel_loop3A_327, %parallel_loop3A_328 = tpu.sort %parallel_loop3A_319, %parallel_loop3A_320 masked %parallel_loop3A_325 {descending = true} : (vector<16xf32>, vector<16xf32>, vector<16xi1>) -> (vector<16xi1>, vector<16xf32>, vector<16xf32>)
        %parallel_loop3A_329 = arith.cmpf oge, %parallel_loop3A_283, %parallel_loop3A_288 : vector<16xf32>
        %parallel_loop3A_330 = arith.maximumf %parallel_loop3A_283, %parallel_loop3A_288 : vector<16xf32>
        %parallel_loop3A_331 = arith.select %parallel_loop3A_329, %parallel_loop3A_284, %parallel_loop3A_289 : vector<16xi1>, vector<16xf32>
        %parallel_loop3A_332 = arith.minimumf %parallel_loop3A_283, %parallel_loop3A_288 : vector<16xf32>
        %parallel_loop3A_333 = arith.select %parallel_loop3A_329, %parallel_loop3A_289, %parallel_loop3A_284 : vector<16xi1>, vector<16xf32>
        %parallel_loop3A_334 = arith.constant dense<true> : vector<16xi1>
        %parallel_loop3A_335, %parallel_loop3A_336, %parallel_loop3A_337 = tpu.sort %parallel_loop3A_332, %parallel_loop3A_333 masked %parallel_loop3A_334 : (vector<16xf32>, vector<16xf32>, vector<16xi1>) -> (vector<16xi1>, vector<16xf32>, vector<16xf32>)
        %parallel_loop3A_338 = arith.constant dense<true> : vector<16xi1>
        %parallel_loop3A_339, %parallel_loop3A_340, %parallel_loop3A_341 = tpu.sort %parallel_loop3A_330, %parallel_loop3A_331 masked %parallel_loop3A_338 : (vector<16xf32>, vector<16xf32>, vector<16xi1>) -> (vector<16xi1>, vector<16xf32>, vector<16xf32>)
        %parallel_loop3A_342 = arith.cmpf oge, %parallel_loop3A_297, %parallel_loop3A_310 : vector<16xf32>
        %parallel_loop3A_343 = arith.maximumf %parallel_loop3A_297, %parallel_loop3A_310 : vector<16xf32>
        %parallel_loop3A_344 = arith.select %parallel_loop3A_342, %parallel_loop3A_298, %parallel_loop3A_311 : vector<16xi1>, vector<16xf32>
        %parallel_loop3A_345 = arith.cmpf oge, %parallel_loop3A_301, %parallel_loop3A_314 : vector<16xf32>
        %parallel_loop3A_346 = arith.maximumf %parallel_loop3A_301, %parallel_loop3A_314 : vector<16xf32>
        %parallel_loop3A_347 = arith.select %parallel_loop3A_345, %parallel_loop3A_302, %parallel_loop3A_315 : vector<16xi1>, vector<16xf32>
        %parallel_loop3A_348 = arith.cmpf oge, %parallel_loop3A_343, %parallel_loop3A_346 : vector<16xf32>
        %parallel_loop3A_349 = arith.maximumf %parallel_loop3A_343, %parallel_loop3A_346 : vector<16xf32>
        %parallel_loop3A_350 = arith.select %parallel_loop3A_348, %parallel_loop3A_344, %parallel_loop3A_347 : vector<16xi1>, vector<16xf32>
        %parallel_loop3A_351 = arith.minimumf %parallel_loop3A_343, %parallel_loop3A_346 : vector<16xf32>
        %parallel_loop3A_352 = arith.select %parallel_loop3A_348, %parallel_loop3A_347, %parallel_loop3A_344 : vector<16xi1>, vector<16xf32>
        %parallel_loop3A_353 = arith.constant dense<true> : vector<16xi1>
        %parallel_loop3A_354, %parallel_loop3A_355, %parallel_loop3A_356 = tpu.sort %parallel_loop3A_349, %parallel_loop3A_350 masked %parallel_loop3A_353 {descending = true} : (vector<16xf32>, vector<16xf32>, vector<16xi1>) -> (vector<16xi1>, vector<16xf32>, vector<16xf32>)
        %parallel_loop3A_357 = arith.constant dense<true> : vector<16xi1>
        %parallel_loop3A_358, %parallel_loop3A_359, %parallel_loop3A_360 = tpu.sort %parallel_loop3A_351, %parallel_loop3A_352 masked %parallel_loop3A_357 {descending = true} : (vector<16xf32>, vector<16xf32>, vector<16xi1>) -> (vector<16xi1>, vector<16xf32>, vector<16xf32>)
        %parallel_loop3A_361 = arith.cmpf oge, %parallel_loop3A_323, %parallel_loop3A_336 : vector<16xf32>
        %parallel_loop3A_362 = arith.maximumf %parallel_loop3A_323, %parallel_loop3A_336 : vector<16xf32>
        %parallel_loop3A_363 = arith.select %parallel_loop3A_361, %parallel_loop3A_324, %parallel_loop3A_337 : vector<16xi1>, vector<16xf32>
        %parallel_loop3A_364 = arith.cmpf oge, %parallel_loop3A_327, %parallel_loop3A_340 : vector<16xf32>
        %parallel_loop3A_365 = arith.maximumf %parallel_loop3A_327, %parallel_loop3A_340 : vector<16xf32>
        %parallel_loop3A_366 = arith.select %parallel_loop3A_364, %parallel_loop3A_328, %parallel_loop3A_341 : vector<16xi1>, vector<16xf32>
        %parallel_loop3A_367 = arith.cmpf oge, %parallel_loop3A_362, %parallel_loop3A_365 : vector<16xf32>
        %parallel_loop3A_368 = arith.maximumf %parallel_loop3A_362, %parallel_loop3A_365 : vector<16xf32>
        %parallel_loop3A_369 = arith.select %parallel_loop3A_367, %parallel_loop3A_363, %parallel_loop3A_366 : vector<16xi1>, vector<16xf32>
        %parallel_loop3A_370 = arith.minimumf %parallel_loop3A_362, %parallel_loop3A_365 : vector<16xf32>
        %parallel_loop3A_371 = arith.select %parallel_loop3A_367, %parallel_loop3A_366, %parallel_loop3A_363 : vector<16xi1>, vector<16xf32>
        %parallel_loop3A_372 = arith.constant dense<true> : vector<16xi1>
        %parallel_loop3A_373, %parallel_loop3A_374, %parallel_loop3A_375 = tpu.sort %parallel_loop3A_370, %parallel_loop3A_371 masked %parallel_loop3A_372 : (vector<16xf32>, vector<16xf32>, vector<16xi1>) -> (vector<16xi1>, vector<16xf32>, vector<16xf32>)
        %parallel_loop3A_376 = arith.constant dense<true> : vector<16xi1>
        %parallel_loop3A_377, %parallel_loop3A_378, %parallel_loop3A_379 = tpu.sort %parallel_loop3A_368, %parallel_loop3A_369 masked %parallel_loop3A_376 : (vector<16xf32>, vector<16xf32>, vector<16xi1>) -> (vector<16xi1>, vector<16xf32>, vector<16xf32>)
        %parallel_loop3A_380 = arith.cmpf oge, %parallel_loop3A_355, %parallel_loop3A_374 : vector<16xf32>
        %parallel_loop3A_381 = arith.maximumf %parallel_loop3A_355, %parallel_loop3A_374 : vector<16xf32>
        %parallel_loop3A_382 = arith.select %parallel_loop3A_380, %parallel_loop3A_356, %parallel_loop3A_375 : vector<16xi1>, vector<16xf32>
        %parallel_loop3A_383 = arith.cmpf oge, %parallel_loop3A_359, %parallel_loop3A_378 : vector<16xf32>
        %parallel_loop3A_384 = arith.maximumf %parallel_loop3A_359, %parallel_loop3A_378 : vector<16xf32>
        %parallel_loop3A_385 = arith.select %parallel_loop3A_383, %parallel_loop3A_360, %parallel_loop3A_379 : vector<16xi1>, vector<16xf32>
        %parallel_loop3A_386 = arith.cmpf oge, %parallel_loop3A_381, %parallel_loop3A_384 : vector<16xf32>
        %parallel_loop3A_387 = arith.maximumf %parallel_loop3A_381, %parallel_loop3A_384 : vector<16xf32>
        %parallel_loop3A_388 = arith.select %parallel_loop3A_386, %parallel_loop3A_382, %parallel_loop3A_385 : vector<16xi1>, vector<16xf32>
        %parallel_loop3A_389 = arith.minimumf %parallel_loop3A_381, %parallel_loop3A_384 : vector<16xf32>
        %parallel_loop3A_390 = arith.select %parallel_loop3A_386, %parallel_loop3A_385, %parallel_loop3A_382 : vector<16xi1>, vector<16xf32>
        %parallel_loop3A_391 = arith.constant dense<true> : vector<16xi1>
        %parallel_loop3A_392, %parallel_loop3A_393, %parallel_loop3A_394 = tpu.sort %parallel_loop3A_387, %parallel_loop3A_388 masked %parallel_loop3A_391 {descending = true} : (vector<16xf32>, vector<16xf32>, vector<16xi1>) -> (vector<16xi1>, vector<16xf32>, vector<16xf32>)
        %parallel_loop3A_395 = arith.constant dense<true> : vector<16xi1>
        %parallel_loop3A_396, %parallel_loop3A_397, %parallel_loop3A_398 = tpu.sort %parallel_loop3A_389, %parallel_loop3A_390 masked %parallel_loop3A_395 {descending = true} : (vector<16xf32>, vector<16xf32>, vector<16xi1>) -> (vector<16xi1>, vector<16xf32>, vector<16xf32>)
        %parallel_loop3A_399 = arith.mulf %parallel_loop3A_393, %mul3A_87 : vector<16xf32>
        %parallel_loop3A_400 = arith.constant 4.000000e+01 : f32
        %parallel_loop3A_401 = vector.broadcast %parallel_loop3A_400 : f32 to vector<16xf32>
        %parallel_loop3A_402 = arith.minimumf %parallel_loop3A_399, %parallel_loop3A_401 : vector<16xf32>
        %parallel_loop3A_403 = math.exp %parallel_loop3A_402 : vector<16xf32>
        %parallel_loop3A_404 = arith.constant 1.000000e+00 : f32
        %parallel_loop3A_405 = vector.broadcast %parallel_loop3A_404 : f32 to vector<16xf32>
        %parallel_loop3A_406 = arith.subf %parallel_loop3A_403, %parallel_loop3A_405 : vector<16xf32>
        %parallel_loop3A_407 = arith.constant 1.000000e+00 : f32
        %parallel_loop3A_408 = vector.broadcast %parallel_loop3A_407 : f32 to vector<16xf32>
        %parallel_loop3A_409 = arith.addf %parallel_loop3A_403, %parallel_loop3A_408 : vector<16xf32>
        %parallel_loop3A_410 = arith.divf %parallel_loop3A_406, %parallel_loop3A_409 : vector<16xf32>
        %parallel_loop3A_411 = arith.mulf %parallel_loop3A_394, %parallel_loop3A_410 : vector<16xf32>
        %parallel_loop3A_412 = arith.mulf %parallel_loop3A_397, %mul3A_87 : vector<16xf32>
        %parallel_loop3A_413 = arith.constant 4.000000e+01 : f32
        %parallel_loop3A_414 = vector.broadcast %parallel_loop3A_413 : f32 to vector<16xf32>
        %parallel_loop3A_415 = arith.minimumf %parallel_loop3A_412, %parallel_loop3A_414 : vector<16xf32>
        %parallel_loop3A_416 = math.exp %parallel_loop3A_415 : vector<16xf32>
        %parallel_loop3A_417 = arith.constant 1.000000e+00 : f32
        %parallel_loop3A_418 = vector.broadcast %parallel_loop3A_417 : f32 to vector<16xf32>
        %parallel_loop3A_419 = arith.subf %parallel_loop3A_416, %parallel_loop3A_418 : vector<16xf32>
        %parallel_loop3A_420 = arith.constant 1.000000e+00 : f32
        %parallel_loop3A_421 = vector.broadcast %parallel_loop3A_420 : f32 to vector<16xf32>
        %parallel_loop3A_422 = arith.addf %parallel_loop3A_416, %parallel_loop3A_421 : vector<16xf32>
        %parallel_loop3A_423 = arith.divf %parallel_loop3A_419, %parallel_loop3A_422 : vector<16xf32>
        %parallel_loop3A_424 = arith.mulf %parallel_loop3A_398, %parallel_loop3A_423 : vector<16xf32>
        %parallel_loop3A_425 = arith.index_cast %rem3A_167 : i32 to index
        %parallel_loop3A_426 = arith.index_cast %parallel_loop3A_217 : i32 to index
        %parallel_loop3A_427 = arith.constant 0 : index
        %parallel_loop3A_428 = tpu.vector_load %arg7[%parallel_loop3A_425, %parallel_loop3A_426, %parallel_loop3A_427] {strides = array<i32>} : memref<2x200x32xf32, #tpu.memory_space<vmem>>, vector<16xf32>,
        tpu.vector_store %arg7[%parallel_loop3A_425, %parallel_loop3A_426, %parallel_loop3A_427], %parallel_loop3A_411 {strides = array<i32>} : memref<2x200x32xf32, #tpu.memory_space<vmem>>, vector<16xf32>,
        %parallel_loop3A_429 = arith.index_cast %rem3A_167 : i32 to index
        %parallel_loop3A_430 = arith.index_cast %parallel_loop3A_217 : i32 to index
        %parallel_loop3A_431 = arith.constant 16 : index
        %parallel_loop3A_432 = tpu.vector_load %arg7[%parallel_loop3A_429, %parallel_loop3A_430, %parallel_loop3A_431] {strides = array<i32>} : memref<2x200x32xf32, #tpu.memory_space<vmem>>, vector<16xf32>,
        tpu.vector_store %arg7[%parallel_loop3A_429, %parallel_loop3A_430, %parallel_loop3A_431], %parallel_loop3A_424 {strides = array<i32>} : memref<2x200x32xf32, #tpu.memory_space<vmem>>, vector<16xf32>,
      } {sc.loop_unroll_factor = 2 : i64, sc.parallel_access}
      %mul3A_198 = arith.constant 32 : i32
      %mul3A_199 = arith.muli %while3A_165, %mul3A_198 : i32
      %add3A_200 = arith.addi %add3A, %mul3A_199 : i32
      %mul3A_201 = arith.constant 200 : i32
      %mul3A_202 = arith.muli %add3A_200, %mul3A_201 : i32
      %dma_start3A_203 = arith.constant 0 : i32
      %dma_start3A_204 = arith.constant 0 : i32
      %dma_start3A_205 = tpu.memref_slice %arg7[%rem3A_167, %dma_start3A_203, %dma_start3A_204] : memref<2x200x32xf32, #tpu.memory_space<vmem>> -> memref<1x200x32xf32, #tpu.memory_space<vmem>>
      %dma_start3A_206 = tpu.memref_squeeze %dma_start3A_205 : memref<1x200x32xf32, #tpu.memory_space<vmem>> -> memref<200x32xf32, #tpu.memory_space<vmem>>
      %dma_start3A_207 = arith.constant 0 : i32
      %dma_start3A_208 = tpu.memref_slice %arg4[%mul3A_202, %dma_start3A_207] : memref<100000x32xf32, #tpu.memory_space<hbm>> -> memref<200x32xf32, #tpu.memory_space<hbm>>
      %dma_start3A_209 = tpu.memref_slice %arg9[%rem3A_167] : memref<2x!tpu.dma_semaphore, #tpu.memory_space<semaphore_mem>> -> memref<1x!tpu.dma_semaphore, #tpu.memory_space<semaphore_mem>>
      %dma_start3A_210 = tpu.memref_squeeze %dma_start3A_209 : memref<1x!tpu.dma_semaphore, #tpu.memory_space<semaphore_mem>> -> memref<!tpu.dma_semaphore, #tpu.memory_space<semaphore_mem>>
      %dma_start3A_211 = arith.constant 0 : i32
      %dma_start3A_212 = tpu.memref_slice %arg4[%mul3A_202, %dma_start3A_211] : memref<100000x32xf32, #tpu.memory_space<hbm>> -> memref<200x32xf32, #tpu.memory_space<hbm>>
      %dma_start3A_213 = arith.constant 0 : i32
      %dma_start3A_214 = arith.constant 0 : i32
      %dma_start3A_215 = tpu.memref_slice %arg7[%rem3A_167, %dma_start3A_213, %dma_start3A_214] : memref<2x200x32xf32, #tpu.memory_space<vmem>> -> memref<1x200x32xf32, #tpu.memory_space<vmem>>
      %dma_start3A_216 = tpu.memref_squeeze %dma_start3A_215 : memref<1x200x32xf32, #tpu.memory_space<vmem>> -> memref<200x32xf32, #tpu.memory_space<vmem>>
      tpu.enqueue_dma source(%dma_start3A_216 : memref<200x32xf32, #tpu.memory_space<vmem>>) target(%dma_start3A_212 : memref<200x32xf32, #tpu.memory_space<hbm>>) target_semaphore(%dma_start3A_210 : memref<!tpu.dma_semaphore, #tpu.memory_space<semaphore_mem>>)
    }
    %sub3A_116 = arith.constant 2 : i32
    %sub3A_117 = arith.subi %select_n3A, %sub3A_116 : i32
    %sub3A_118 = arith.constant 2 : i32
    %sub3A_119 = arith.subi %select_n3A, %sub3A_118 : i32
    %rem3A_120 = arith.constant 2 : i32
    %rem3A_121 = arith.remsi %sub3A_119, %rem3A_120 : i32
    %mul3A_122 = arith.constant 32 : i32
    %mul3A_123 = arith.muli %sub3A_117, %mul3A_122 : i32
    %add3A_124 = arith.addi %add3A, %mul3A_123 : i32
    %mul3A_125 = arith.constant 200 : i32
    %mul3A_126 = arith.muli %add3A_124, %mul3A_125 : i32
    %dma_wait3A = arith.constant 0 : i32
    %dma_wait3A_127 = arith.constant 0 : i32
    %dma_wait3A_128 = tpu.memref_slice %arg7[%rem3A_121, %dma_wait3A, %dma_wait3A_127] : memref<2x200x32xf32, #tpu.memory_space<vmem>> -> memref<1x200x32xf32, #tpu.memory_space<vmem>>
    %dma_wait3A_129 = tpu.memref_squeeze %dma_wait3A_128 : memref<1x200x32xf32, #tpu.memory_space<vmem>> -> memref<200x32xf32, #tpu.memory_space<vmem>>
    %dma_wait3A_130 = arith.constant 0 : i32
    %dma_wait3A_131 = tpu.memref_slice %arg4[%mul3A_126, %dma_wait3A_130] : memref<100000x32xf32, #tpu.memory_space<hbm>> -> memref<200x32xf32, #tpu.memory_space<hbm>>
    %dma_wait3A_132 = tpu.memref_slice %arg9[%rem3A_121] : memref<2x!tpu.dma_semaphore, #tpu.memory_space<semaphore_mem>> -> memref<1x!tpu.dma_semaphore, #tpu.memory_space<semaphore_mem>>
    %dma_wait3A_133 = tpu.memref_squeeze %dma_wait3A_132 : memref<1x!tpu.dma_semaphore, #tpu.memory_space<semaphore_mem>> -> memref<!tpu.dma_semaphore, #tpu.memory_space<semaphore_mem>>
    %dma_wait3A_134 = arith.constant 0 : i32
    %dma_wait3A_135 = tpu.memref_slice %arg4[%mul3A_126, %dma_wait3A_134] : memref<100000x32xf32, #tpu.memory_space<hbm>> -> memref<200x32xf32, #tpu.memory_space<hbm>>
    %dma_wait3A_136 = arith.constant 0 : i32
    %dma_wait3A_137 = arith.constant 0 : i32
    %dma_wait3A_138 = tpu.memref_slice %arg7[%rem3A_121, %dma_wait3A_136, %dma_wait3A_137] : memref<2x200x32xf32, #tpu.memory_space<vmem>> -> memref<1x200x32xf32, #tpu.memory_space<vmem>>
    %dma_wait3A_139 = tpu.memref_squeeze %dma_wait3A_138 : memref<1x200x32xf32, #tpu.memory_space<vmem>> -> memref<200x32xf32, #tpu.memory_space<vmem>>
    tpu.wait_dma2 semaphore(%dma_wait3A_133 : memref<!tpu.dma_semaphore, #tpu.memory_space<semaphore_mem>>) src(%dma_wait3A_139 : memref<200x32xf32, #tpu.memory_space<vmem>>) dst(%dma_wait3A_135 : memref<200x32xf32, #tpu.memory_space<hbm>>)
    %sub3A_140 = arith.constant 1 : i32
    %sub3A_141 = arith.subi %select_n3A, %sub3A_140 : i32
    %sub3A_142 = arith.constant 1 : i32
    %sub3A_143 = arith.subi %select_n3A, %sub3A_142 : i32
    %rem3A_144 = arith.constant 2 : i32
    %rem3A_145 = arith.remsi %sub3A_143, %rem3A_144 : i32
    %mul3A_146 = arith.constant 32 : i32
    %mul3A_147 = arith.muli %sub3A_141, %mul3A_146 : i32
    %add3A_148 = arith.addi %add3A, %mul3A_147 : i32
    %mul3A_149 = arith.constant 200 : i32
    %mul3A_150 = arith.muli %add3A_148, %mul3A_149 : i32
    %dma_wait3A_151 = arith.constant 0 : i32
    %dma_wait3A_152 = arith.constant 0 : i32
    %dma_wait3A_153 = tpu.memref_slice %arg7[%rem3A_145, %dma_wait3A_151, %dma_wait3A_152] : memref<2x200x32xf32, #tpu.memory_space<vmem>> -> memref<1x200x32xf32, #tpu.memory_space<vmem>>
    %dma_wait3A_154 = tpu.memref_squeeze %dma_wait3A_153 : memref<1x200x32xf32, #tpu.memory_space<vmem>> -> memref<200x32xf32, #tpu.memory_space<vmem>>
    %dma_wait3A_155 = arith.constant 0 : i32
    %dma_wait3A_156 = tpu.memref_slice %arg4[%mul3A_150, %dma_wait3A_155] : memref<100000x32xf32, #tpu.memory_space<hbm>> -> memref<200x32xf32, #tpu.memory_space<hbm>>
    %dma_wait3A_157 = tpu.memref_slice %arg9[%rem3A_145] : memref<2x!tpu.dma_semaphore, #tpu.memory_space<semaphore_mem>> -> memref<1x!tpu.dma_semaphore, #tpu.memory_space<semaphore_mem>>
    %dma_wait3A_158 = tpu.memref_squeeze %dma_wait3A_157 : memref<1x!tpu.dma_semaphore, #tpu.memory_space<semaphore_mem>> -> memref<!tpu.dma_semaphore, #tpu.memory_space<semaphore_mem>>
    %dma_wait3A_159 = arith.constant 0 : i32
    %dma_wait3A_160 = tpu.memref_slice %arg4[%mul3A_150, %dma_wait3A_159] : memref<100000x32xf32, #tpu.memory_space<hbm>> -> memref<200x32xf32, #tpu.memory_space<hbm>>
    %dma_wait3A_161 = arith.constant 0 : i32
    %dma_wait3A_162 = arith.constant 0 : i32
    %dma_wait3A_163 = tpu.memref_slice %arg7[%rem3A_145, %dma_wait3A_161, %dma_wait3A_162] : memref<2x200x32xf32, #tpu.memory_space<vmem>> -> memref<1x200x32xf32, #tpu.memory_space<vmem>>
    %dma_wait3A_164 = tpu.memref_squeeze %dma_wait3A_163 : memref<1x200x32xf32, #tpu.memory_space<vmem>> -> memref<200x32xf32, #tpu.memory_space<vmem>>
    tpu.wait_dma2 semaphore(%dma_wait3A_158 : memref<!tpu.dma_semaphore, #tpu.memory_space<semaphore_mem>>) src(%dma_wait3A_164 : memref<200x32xf32, #tpu.memory_space<vmem>>) dst(%dma_wait3A_160 : memref<200x32xf32, #tpu.memory_space<hbm>>)
    return
  }
}

</mosaic_0001>

<sc_bundles>
// kernel: kernel.3.cloned.1.call-start
scs
__scs_entry_jumppad:
0x0: {  	(pc) =	sbr.rel $0x88, $3  }
0x1: {  	(tag) =	ssettag $0x0;
	lr =	simm.s32 $0x1  }
0x2: {  	[smem:$0x3F9F] =	sst lr;
	_ =	strace $0xD0000000  }
0x3: {  	_ = 	snop  }
0x4: {  	_ = 	snop  }
0x5: {  	_ = 	snop  }
0x6: {  	_ = 	snop  }
0x7: {  	_ = 	snop  }
__scs_overlays_trampoline_lowered:
0x8: {  	[smem:$0x3FAE] =	sst s0  }
0x9: {  	[smem:$0x3FAF] =	sst s1  }
0xa: {  	[smem:$0x3FB0] =	sst s2  }
0xb: {  	[smem:$0x3FB1] =	sst s3  }
0xc: {  	[smem:$0x3FB2] =	sst s4  }
0xd: {  	[smem:$0x3FB3] =	sst s5  }
0xe: {  	[smem:$0x3FB4] =	sst s6  }
0xf: {  	[smem:$0x3FB5] =	sst s7  }
0x10: {  	[smem:$0x3FB6] =	sst s8  }
0x11: {  	[smem:$0x3FB7] =	sst s9;
	s0 =	simm.s32 @!p0 $0x0  }
0x12: {  	s1 =	sld [smem:$0x3F9D];
	s0 =	simm.s32 @p0 $0x1  }
0x13: {  	[smem:$0x3FB8] =	sst s0;
	s0 =	simm.s32 @!p1 $0x0  }
0x14: {  	s2 =	sld [smem:$0x3F9C];
	s0 =	simm.s32 @p1 $0x1  }
0x15: {  	[smem:$0x3FB9] =	sst s0;
	s0 =	simm.s32 @!p2 $0x0  }
0x16: {  	s3 =	sld [smem:$0x3FDB];
	s0 =	simm.s32 @p2 $0x1  }
0x17: {  	s4 =	simm.s32 $0x1BF5;
	[smem:$0x3FBB] =	sst s0  }
0x18: {  	s0 =	sld [smem:$0x3F9E];
	_ =	swait.ge [sflag:s4], $0x0  }
0x19: {  	s7 =	sld [smem:$0x3F9F]  }
0x1a: {  	s8 =	sadd.s32 $0xFFFFE003, lr  }
0x1b: {  	s9 =	sadd.s32 $0xFFFFFEF7, lr;
	s5 =	simm.s32 $0xFFFFFFFF;
	p2 =	slt.u32 s8, $0xFFFFF086  }
0x1c: {  	p1 =	slt.u32 s9, $0xF7A;
	s5 =	simm.s32 @!p2 $0x0  }
0x1d: {  	s5 =	simm.s32 @p1 $0x1;
	p0 =	seq.s32 s7, s2  }
0x1e: {  	s7 =	smul.u32 @!p0 $0xF7A, s2;
	p2 =	seq.s32 @!p0 s5, $0x0  }
0x1f: {  	s9 =	smul.u32 $0xF7A, s1;
	s8 =	simm.s32 @!p0 $0x1BF5;
	p2 =	por !p2, p0  }
0x20: {  	[sflag:s8] =	ssyncset.s32 @!p0 $0xFFFFF086;
	s6 =	sadd.s32 @!p0 s3, s7;
	s7 =	simm.s32 @!p0 $0x108  }
0x21: {  	s3 =	sadd.s32 s3, s9;
	s6 =	sadd.s32 @!p0 $0x88, s6;
	s7 =	simm.s32 @p2 $0x1082  }
0x22: {  	[simem:s7], [sflag:s8] =	dma.local @!p0 [hbm:s6], $0xF7A  }
0x23: {  	s9 =	sor.u32 $0xD0000000, s2;
	s6 =	simm.s32 $0x108;
	_ =	swait.ge @!p0 [sflag:s8], $0x0  }
0x24: {  	s3 =	sadd.s32 $0x88, s3;
	s6 =	simm.s32 @!p1 $0x1082;
	[sflag:s4] =	ssyncset.s32 $0xFFFFF086  }
0x25: {  	[simem:s6], [sflag:s4] =	dma.local [hbm:s3], $0xF7A  }
0x26: {  	[smem:$0x3F9F] =	sst s1;
	(tag) =	ssettag s2;
	_ =	strace s9  }
0x27: {  	s1 =	sld [smem:$0x3FAF]  }
0x28: {  	s2 =	sld [smem:$0x3FB0]  }
0x29: {  	s4 =	sld [smem:$0x3FB2]  }
0x2a: {  	p0 =	seq.s32 s5, $0x0;
	s5 =	sld [smem:$0x3FB3]  }
0x2b: {  	s6 =	sld [smem:$0x3FB4]  }
0x2c: {  	s7 =	sld [smem:$0x3FB5]  }
0x2d: {  	s3 =	simm.s32 $0x108;
	s8 =	sld [smem:$0x3FB6]  }
0x2e: {  	s3 =	simm.s32 @!p0 $0x1082;
	s9 =	sld [smem:$0x3FB7]  }
0x2f: {  	lr =	sadd.s32 s0, s3;
	s0 =	sld [smem:$0x3FAE]  }
0x30: {  	s3 =	sld [smem:$0x3FB1]  }
0x31: {  	[smem:$0x3FBA] =	sst s10  }
0x32: {  	s10 =	sld [smem:$0x3FB8];
	_ =	sdelay $0x3  }
0x33: {  	p0 =	seq.s32 s10, $0x1;
	s10 =	sld [smem:$0x3FBA];
	_ =	sdelay $0x3  }
0x34: {  	[smem:$0x3FBA] =	sst s10  }
0x35: {  	s10 =	sld [smem:$0x3FB9];
	_ =	sdelay $0x3  }
0x36: {  	p1 =	seq.s32 s10, $0x1;
	s10 =	sld [smem:$0x3FBA];
	_ =	sdelay $0x3  }
0x37: {  	[smem:$0x3FBA] =	sst s10  }
0x38: {  	s10 =	sld [smem:$0x3FBB]  }
0x39: {  	_ = 	snop;
	(pc) =	sbr.ind lr, $3  }
0x3a: {  	_ = 	snop  }
0x3b: {  	_ = 	snop  }
0x3c: {  	p2 =	seq.s32 s10, $0x1;
	s10 =	sld [smem:$0x3FBA]  }
0x3d: {  	_ =	shalt  }
0x3e: {  	_ =	shalt  }
0x3f: {  	_ =	shalt  }
0x40: {  	_ =	shalt  }
0x41: {  	_ =	shalt  }
0x42: {  	_ =	shalt  }
0x43: {  	_ =	shalt  }
0x44: {  	_ =	shalt  }
0x45: {  	_ =	shalt  }
0x46: {  	_ =	shalt  }
0x47: {  	_ =	shalt  }
0x48: {  	_ =	shalt  }
0x49: {  	_ =	shalt  }
0x4a: {  	_ =	shalt  }
0x4b: {  	_ =	shalt  }
0x4c: {  	_ =	shalt  }
0x4d: {  	_ =	shalt  }
0x4e: {  	_ =	shalt  }
0x4f: {  	_ =	shalt  }
0x50: {  	_ =	shalt  }
0x51: {  	_ =	shalt  }
0x52: {  	_ =	shalt  }
0x53: {  	_ =	shalt  }
0x54: {  	_ =	shalt  }
0x55: {  	_ =	shalt  }
0x56: {  	_ =	shalt  }
0x57: {  	_ =	shalt  }
0x58: {  	_ =	shalt  }
0x59: {  	_ =	shalt  }
0x5a: {  	_ =	shalt  }
0x5b: {  	_ =	shalt  }
0x5c: {  	_ =	shalt  }
0x5d: {  	_ =	shalt  }
0x5e: {  	_ =	shalt  }
0x5f: {  	_ =	shalt  }
0x60: {  	_ =	shalt  }
0x61: {  	_ =	shalt  }
0x62: {  	_ =	shalt  }
0x63: {  	_ =	shalt  }
0x64: {  	_ =	shalt  }
0x65: {  	_ =	shalt  }
0x66: {  	_ =	shalt  }
0x67: {  	_ =	shalt  }
0x68: {  	_ =	shalt  }
0x69: {  	_ =	shalt  }
0x6a: {  	_ =	shalt  }
0x6b: {  	_ =	shalt  }
0x6c: {  	_ =	shalt  }
0x6d: {  	_ =	shalt  }
0x6e: {  	_ =	shalt  }
0x6f: {  	_ =	shalt  }
0x70: {  	_ =	shalt  }
0x71: {  	_ =	shalt  }
0x72: {  	_ =	shalt  }
0x73: {  	_ =	shalt  }
0x74: {  	_ =	shalt  }
0x75: {  	_ =	shalt  }
0x76: {  	_ =	shalt  }
0x77: {  	_ =	shalt  }
0x78: {  	_ =	shalt  }
0x79: {  	_ =	shalt  }
0x7a: {  	_ =	shalt  }
0x7b: {  	_ =	shalt  }
0x7c: {  	_ =	shalt  }
0x7d: {  	_ =	shalt  }
0x7e: {  	_ =	shalt  }
0x7f: {  	_ =	shalt  }
0x80: {  	_ =	shalt  }
0x81: {  	_ =	shalt  }
0x82: {  	_ =	shalt  }
0x83: {  	_ =	shalt  }
0x84: {  	_ =	shalt  }
0x85: {  	_ =	shalt  }
0x86: {  	_ =	shalt  }
0x87: {  	_ =	shalt  }
.Lfunc_end0:
.L_simem_size_0:
called_computation_lowered:
.L_overlay_start_0:
0x88: {  	s2 =	sld [smem:$0x3FD9]  }
0x89: {  	s3 =	sld [smem:$0x3FFE];
	_ =	sdelay $0x1  }
0x8a: {  	s1 =	srdreg.scid  }
0x8b: {  	s0 =	sand.u32 $0x1, s1  }
0x8c: {  	s17 =	sshll.u32 s0, $0xA;
	s2 =	sadd.s32 s3, s2  }
0x8d: {  	s2 =	sadd.s32 s2, s17  }
0x8e: {  	[smem:$0x3FC6] =	sst s2  }
0x8f: {  	_ = 	snop  }
0x90: {  	s2 =	sld [smem:$0x3FC9]  }
0x91: {  	s18 =	sld [smem:$0x3FC8];
	(tm) =	ssettm $0x1  }
0x92: {  	s4 =	sld [smem:$0x3FFB];
	_ =	sdelay $0x3  }
0x93: {  	_ =	strace s4  }
0x94: {  	s4 =	sld [smem:$0x3FFC];
	_ =	sdelay $0x3  }
0x95: {  	_ =	strace s4  }
0x96: {  	s4 =	sld [smem:$0x3FFD];
	_ =	sdelay $0x3  }
0x97: {  	_ =	strace s4  }
0x98: {  	_ =	strace $0x8FFFFFFF  }
0x99: {  	s19 =	sld [smem:$0x3FDB];
	_ =	sdelay $0x1  }
0x9a: {  	s5 =	simm.s32 $_scs_section_size  }
0x9b: {  	s6 =	simm.s32 $_size__tile_overlayer_lowered;
	s7 =	simm.s32 $_tile_overlayer_lowered  }
0x9c: {  	s22 =	simm.s32 $0x1BFF;
	s21 =	sshll.u32 s7, $0x1;
	s4 =	sadd.s32 s5, s19  }
0x9d: {  	s8 =	simm.s32 $0x0;
	s20 =	sshll.u32 s6, $0x1;
	s6 =	sadd.s32 s21, s4  }
0x9e: {  	[timem:s8], [sflag:s22] =	dma.local [hbm:s6], s20  }
0x9f: {  	_ =	swait.ge [sflag:s22], s20  }
0xa0: {  	s5 =	ssub.s32 $0x0, s20;
	[sflag:s22] =	ssyncset.done $0x0  }
0xa1: {  	[sflag:s22] =	ssyncadd.s32 s5;
	_ =	sdelay $0x1  }
0xa2: {  	s23 =	simm.s32 $0x1B8B  }
0xa3: {  	_ =	swait.ge [sflag:s23], $0x1  }
0xa4: {  	[sflag:s23] =	ssyncset.done $0x0  }
0xa5: {  	s25 =	simm.s32 $0x1B8E;
	s24 =	sld [smem:$0x3FFE];
	[sflag:s23] =	ssyncadd.s32 $0xFFFFFFFF  }
0xa6: {  	s26 =	simm.s32 $execute0_lowered;
	[smem:$0x3FD2] =	sst s25  }
0xa7: {  	s6 =	sshll.u32 s26, $0x1;
	_ =	strace $0x80000046;
	[dreg:$0x1] =	wrdreg $0xFFFFFFFF  }
0xa8: {  	s28 =	simm.s32 $_size_execute0_lowered;
	s4 =	sadd.s32 s4, s6;
	[dreg:$0x0] =	wrdreg $0x0  }
0xa9: {  	s6 =	sshll.u32 s28, $0x1;
	[dreg:$0x2] =	wrdreg s4  }
0xaa: {  	[dreg:$0x3] =	wrdreg s6  }
0xab: {  	[dreg:$0x4] =	wrdreg $0xC0  }
0xac: {  	_ =	task [dreg:s8], $0x5FFFF  }
0xad: {  	[dreg:$0x1] =	wrdreg $0xFFFFFFFF  }
0xae: {  	[dreg:$0x0] =	wrdreg $0x60  }
0xaf: {  	[dreg:$0x2] =	wrdreg s2  }
0xb0: {  	[dreg:$0x3] =	wrdreg s18  }
0xb1: {  	[dreg:$0x4] =	wrdreg s24  }
0xb2: {  	[dreg:$0x5] =	wrdreg $0x9  }
0xb3: {  	_ =	task.clear_ibuf [dreg:s8], $0x6FFFF;
	_ =	strace $0x90000046  }
0xb4: {  	s29 =	simm.s32 $0x9;
	_ =	strace $0x80000048  }
0xb5: {  	_ =	swait.ge [sflag:s29], $0x1  }
0xb6: {  	[sflag:s29] =	ssyncadd.s32 $0xFFFFFFFF  }
0xb7: {  	_ =	strace $0x90000048  }
0xb8: {  	_ =	sfence  }
0xb9: {  	s30 =	sld [smem:$0x0];
	_ =	sdelay $0x2  }
0xba: {  	s31 =	sshll.u32 s1, $0xD;
	s1 =	sshrl.u32 s1, $0x2  }
0xbb: {  	s3 =	sand.u32 $0x4000, s31;
	s1 =	sadd.s32 s1, s30  }
0xbc: {  	s0 =	sor.u32 s3, s0;
	s1 =	sshll.u32 s1, $0x11  }
0xbd: {  	s0 =	sor.u32 s1, s0  }
0xbe: {  	s0 =	sadd.s32 $0x8F2B, s0  }
0xbf: {  	[sflag:s0] =	ssyncadd.remote.s32 $0x1  }
0xc0: {  	_ =	sfence.sel $0xFFFF  }
0xc1: {  	[dreg:$0x0] =	wrdreg $0xFFFFFFFF;
	(pc) =	sbr.abs _section_cstart, $3  }
0xc2: {  	[dreg:$0x1] =	wrdreg $0xFFFFFFFF  }
0xc3: {  	_ =	task.clear_ibuf [dreg:s8], $0x2FFFF;
	_ =	strace $0x9FFFFFFF  }
0xc4: {  	(tm) =	ssettm $0x7FFFFFFF  }
0xc5: {  	_ =	shalt  }
tec
execute0_lowered:
.L_overlay_start_1:
0x0: {  	(tag) =	ssettag $0x1  }
0x1: {  	s1 =	rddreg [dreg:$0x0]  }
0x2: {  	s3 =	rddreg [dreg:$0x1]  }
0x3: {  	s7 =	rddreg [dreg:$0x2]  }
0x4: {  	s0 =	rddreg [dreg:$0x3]  }
0x5: {  	s5 =	srdreg.scid;
	s2 =	stileid.u32;
	s4 =	simm.s32 $0x0  }
0x6: {  	s13 =	simm.s32 $0x80;
	s6 =	sand.u32 $0x1, s5;
	s29 =	sshll.u32 s2, $0x1  }
0x7: {  	s14 =	simm.s32 $0x0;
	[smem:$0x7FF] =	sst s4;
	s5 =	sor.u32 s6, s29  }
0x8: {  	s7 =	sadd.s32 $0x400, s7;
	s9 =	ssub.s32 $0x2, s6;
	s8 =	ssub.s32 $0x213, s5  }
0x9: {  	s30 =	smul.u32 $0xC80, s5;
	s10 =	sshrl.u32 s9, $0x1;
	s6 =	sshrl.u32 s8, $0x5  }
0xa: {  	_ =	strace $0x80000047;
	s12 =	ssub.s32 s9, s10;
	s11 =	sand.u32 $0x1, s6  }
0xb: {  	s8 =	sadd.s32 s1, s30;
	s31 =	sxor.u32 $0x1, s11;
	s9 =	sadd.s32 $0x3, s11  }
0xc: {  	s11 =	smax.u32 s12, $0x1;
	s12 =	simm.s32 $0x5;
	s10 =	sadd.s32 $0x3, s31  }
.LBB2_1:
0xd: {  	[tilespmem:s4], [sflag:$0x5] =	stream.linear.gather [hbm4b:s3+s4], $0x80, $0x38;
	[tilespmem:$0x19080] =	vst v63  }
0xe: {  	_ =	swait.ge [sflag:s12], $0x80  }
0xf: {  	[sflag:s12] =	ssyncset.done $0x0  }
0x10: {  	[sflag:s12] =	ssyncadd.s32 $0xFFFFFF80  }
0x11: {  	v0 =	vld [tilespmem:$0x0]  }
0x12: {  	v1 =	vld [tilespmem:$0x10];
	_ =	sdelay $0x1  }
0x13: {  	v2 =	vld [tilespmem:$0x20];
	_ =	sdelay $0x1  }
0x14: {  	v3 =	vld [tilespmem:$0x30]  }
0x15: {  	v5 =	vmul.f32 v0, v0;
	v6 =	vmul.f32 v1, v1  }
0x16: {  	v4 =	vld [tilespmem:$0x40]  }
0x17: {  	v7 =	vmul.f32 v2, v2;
	v6 =	vadd.f32 v6, v5  }
0x18: {  	v5 =	vld [tilespmem:$0x50]  }
0x19: {  	v8 =	vmul.f32 v3, v3;
	v7 =	vadd.f32 v7, v6  }
0x1a: {  	v6 =	vld [tilespmem:$0x60]  }
0x1b: {  	v9 =	vmul.f32 v4, v4;
	v8 =	vadd.f32 v8, v7  }
0x1c: {  	v7 =	vld [tilespmem:$0x70]  }
0x1d: {  	v8 =	vadd.f32 v9, v8;
	v9 =	vmul.f32 v5, v5;
	_ =	sdelay $0x1  }
0x1e: {  	v8 =	vadd.f32 v9, v8;
	v9 =	vmul.f32 v6, v6;
	_ =	sdelay $0x1  }
0x1f: {  	v8 =	vadd.f32 v9, v8;
	v9 =	vmul.f32 v7, v7;
	_ =	sdelay $0x1  }
0x20: {  	v8 =	vadd.f32 v9, v8;
	_ =	sdelay $0x1  }
0x21: {  	(xrf2) =	vadd.scan.msk.f32 $0xffff, v8;
	_ =	sdelay $0x9  }
0x22: {  	v8, _, _ =	vpop (xrf2)  }
0x23: {  	v8 =	vbroadcast v8, $0xF;
	_ =	sdelay $0x1  }
0x24: {  	v9 =	vshra.s32 v8, $0x1;
	v8 =	vmul.f32 $5.000000000e-01, v8  }
0x25: {  	v9 =	vsub.s32 $0x5F3759DF, v9  }
0x26: {  	v10 =	vmul.f32 v9, v8;
	_ =	sdelay $0x1  }
0x27: {  	v10 =	vmul.f32 v9, v10;
	_ =	sdelay $0x1  }
0x28: {  	v10 =	vsub.f32 $1.500000000e+00, v10;
	_ =	sdelay $0x1  }
0x29: {  	v9 =	vmul.f32 v9, v10;
	_ =	sdelay $0x1  }
0x2a: {  	v10 =	vmul.f32 v9, v8;
	_ =	sdelay $0x1  }
0x2b: {  	v10 =	vmul.f32 v10, v9;
	_ =	sdelay $0x1  }
0x2c: {  	v10 =	vsub.f32 $1.500000000e+00, v10;
	_ =	sdelay $0x1  }
0x2d: {  	v9 =	vmul.f32 v10, v9;
	_ =	sdelay $0x1  }
0x2e: {  	v8 =	vmul.f32 v9, v8;
	_ =	sdelay $0x1  }
0x2f: {  	v8 =	vmul.f32 v8, v9;
	_ =	sdelay $0x1  }
0x30: {  	v8 =	vsub.f32 $1.500000000e+00, v8;
	_ =	sdelay $0x1  }
0x31: {  	v8 =	vmul.f32 v8, v9  }
0x32: {  	p0 =	por $0x0, $0x0;
	s15 =	simm.s32 $0x0  }
0x33: {  	[tilespmem:s13], [sflag:$0x1] =	stream.linear.gather [hbm4b:s8+s4], $0x6400, $0x38;
	v8 =	vadd.f32 v8, v8;
	[tilespmem:$0x19080] =	vst v63  }
.LBB2_2:
0x34: {  	s17 =	smov.u32 s15;
	s15 =	sadd.s32 $0x1, s15  }
0x35: {  	s16 =	sand.u32 $0x1, s17;
	p1 =	sge.u32 s15, s6  }
0x36: {  	s18 =	sxor.u32 @!p1 $0x1, s16;
	s19 =	sshll.u32 @!p1 s15, $0x5  }
0x37: {  	s20 =	smul.u32 @!p1 $0x19000, s18;
	s19 =	sor.u32 @!p1 s5, s19  }
0x38: {  	s19 =	smul.u32 @!p1 $0xC80, s19  }
0x39: {  	s21 =	simm.s32 @!p1 $0x0;
	s29 =	sadd.s32 $0x1, s16;
	s20 =	sshrl.u32 @!p1 s20, $0x2  }
0x3a: {  	s18 =	sadd.s32 @!p1 $0x1, s18;
	s20 =	sor.u32 @!p1 $0x80, s20;
	s19 =	sadd.s32 @!p1 s1, s19  }
0x3b: {  	[tilespmem:s20], [sflag:s18] =	stream.linear.gather @!p1 [hbm4b:s19+s21], $0x6400, $0x38;
	[tilespmem:$0x19080] =	vst v63  }
0x3c: {  	s19 =	simm.s32 $0x1;
	_ =	swait.ge [sflag:s29], $0x6400  }
0x3d: {  	p1 =	slt.u32 s17, $0x2;
	s19 =	simm.s32 @!p0 $0x0;
	[sflag:s29] =	ssyncset.done $0x0  }
0x3e: {  	s20 =	sadd.s32 @!p1 $0x3, s16;
	s19 =	smul.u32 $0x19000, s19;
	[sflag:s29] =	ssyncadd.s32 $0xFFFF9C00  }
0x3f: {  	_ =	swait.ge @!p1 [sflag:s20], $0x6400  }
0x40: {  	s30 =	sshrl.u32 s19, $0x2;
	[sflag:s20] =	ssyncset.done @!p1 $0x0  }
0x41: {  	s19 =	sor.u32 $0x100, s30;
	[sflag:s20] =	ssyncadd.s32 @!p1 $0xFFFF9C00  }
0x42: {  	v9 =	vld [tilespmem:s19+$0x0]  }
0x43: {  	v10 =	vld [tilespmem:s19+$0x10]  }
0x44: {  	v11 =	vld [tilespmem:s19+$0x20]  }
0x45: {  	v12 =	vld [tilespmem:s19+$0x30]  }
0x46: {  	v13 =	vld [tilespmem:s19+$0x40]  }
0x47: {  	v14 =	vld [tilespmem:s19+$0x50]  }
0x48: {  	v15 =	vld [tilespmem:s19+$0xFFFFFF90];
	v16 =	vmul.f32 v9, v0  }
0x49: {  	v17 =	vld [tilespmem:s19+$0xFFFFFFA0];
	v18 =	vmul.f32 v10, v1  }
0x4a: {  	v20 =	vmul.f32 v11, v2;
	(xrf1) =	vsort.dscd.msk.f32 $0xffff, v16, v9;
	v9 =	vld [tilespmem:s19+$0x60]  }
0x4b: {  	v16 =	vmul.f32 v12, v3;
	(xrf1) =	vsort.ascd.msk.f32 $0xffff, v18, v10;
	v10 =	vld [tilespmem:s19+$0x70]  }
0x4c: {  	v19 =	vld [tilespmem:s19+$0xFFFFFFB0];
	v21 =	vmul.f32 v13, v4;
	(xrf1) =	vsort.dscd.msk.f32 $0xffff, v20, v11  }
0x4d: {  	v18 =	vld [tilespmem:s19+$0xFFFFFFC0];
	v11 =	vmul.f32 v14, v5;
	(xrf1) =	vsort.ascd.msk.f32 $0xffff, v16, v12  }
0x4e: {  	v20 =	vld [tilespmem:s19+$0xFFFFFFF0];
	(xrf1) =	vsort.dscd.msk.f32 $0xffff, v21, v13;
	v13 =	vmul.f32 v15, v1  }
0x4f: {  	v12 =	vld [tilespmem:s19+$0xFFFFFFD0];
	v21 =	vmul.f32 v9, v6;
	(xrf1) =	vsort.ascd.msk.f32 $0xffff, v11, v14  }
0x50: {  	v16 =	vld [tilespmem:s19+$0xFFFFFFE0];
	v14 =	vmul.f32 v10, v7;
	(xrf1) =	vsort.ascd.msk.f32 $0xffff, v13, v15  }
0x51: {  	v11 =	vld [tilespmem:s19+$0xFFFFFF80];
	(xrf1) =	vsort.dscd.msk.f32 $0xffff, v21, v9  }
0x52: {  	(xrf1) =	vsort.ascd.msk.f32 $0xffff, v14, v10  }
0x53: {  	v9 =	vmul.f32 v17, v2  }
0x54: {  	v10 =	vmul.f32 v19, v3  }
0x55: {  	v13 =	vmul.f32 v18, v4;
	(xrf1) =	vsort.dscd.msk.f32 $0xffff, v9, v17  }
0x56: {  	v9 =	vmul.f32 v11, v0;
	(xrf1) =	vsort.ascd.msk.f32 $0xffff, v10, v19;
	v10 =	vmul.f32 v12, v5  }
0x57: {  	(xrf1) =	vsort.dscd.msk.f32 $0xffff, v13, v18;
	v13 =	vmul.f32 v16, v6  }
0x58: {  	v14, v15, _ =	vpop (xrf1);
	(xrf1) =	vsort.dscd.msk.f32 $0xffff, v9, v11  }
0x59: {  	v9 =	vmul.f32 v20, v7;
	v11, v17, _ =	vpop (xrf1);
	(xrf1) =	vsort.ascd.msk.f32 $0xffff, v10, v12  }
0x5a: {  	v10, v12, _ =	vpop (xrf1);
	(xrf1) =	vsort.dscd.msk.f32 $0xffff, v13, v16;
	vm0 =	vge.f32 v14, v11  }
0x5b: {  	v13, v16, _ =	vpop (xrf1);
	(xrf1) =	vsort.ascd.msk.f32 $0xffff, v9, v20;
	v9 =	vmax.f32 v14, v11;
	v18 =	vsel vm0, v15, v17  }
0x5c: {  	v11 =	vmin.f32 v14, v11;
	v14, v19, _ =	vpop (xrf1);
	v20 =	vmax.f32 v10, v13;
	v21 =	vmin.f32 v10, v13  }
0x5d: {  	(xrf1) =	vsort.dscd.msk.f32 $0xffff, v9, v18;
	v9 =	vsel vm0, v17, v15;
	vm0 =	vge.f32 v10, v13;
	v10, v13, _ =	vpop (xrf1)  }
0x5e: {  	v15 =	vsel vm0, v16, v12;
	(xrf1) =	vsort.dscd.msk.f32 $0xffff, v11, v9;
	v9 =	vsel vm0, v12, v16;
	v18, v22, _ =	vpop (xrf1)  }
0x5f: {  	v17 =	vmax.f32 v14, v10;
	vm0 =	vge.f32 v14, v10;
	(xrf1) =	vsort.ascd.msk.f32 $0xffff, v21, v15;
	v11, v12, _ =	vpop (xrf1)  }
0x60: {  	v10 =	vmin.f32 v14, v10;
	v15 =	vsel vm0, v19, v13;
	(xrf1) =	vsort.ascd.msk.f32 $0xffff, v20, v9;
	v14, v16, _ =	vpop (xrf1)  }
0x61: {  	v9 =	vsel vm0, v13, v19;
	(xrf1) =	vsort.dscd.msk.f32 $0xffff, v17, v15;
	vm0 =	vge.f32 v11, v14  }
0x62: {  	v13 =	vmin.f32 v11, v14;
	v15 =	vsel vm0, v16, v12;
	v12 =	vsel vm0, v12, v16  }
0x63: {  	(xrf1) =	vsort.dscd.msk.f32 $0xffff, v10, v9;
	v11 =	vmax.f32 v11, v14  }
0x64: {  	v9, v10, _ =	vpop (xrf1);
	(xrf1) =	vsort.ascd.msk.f32 $0xffff, v13, v15  }
0x65: {  	v13, v14, _ =	vpop (xrf1);
	(xrf1) =	vsort.ascd.msk.f32 $0xffff, v11, v12  }
0x66: {  	v11, v12, _ =	vpop (xrf1)  }
0x67: {  	v15, v16, _ =	vpop (xrf1)  }
0x68: {  	vm1 =	vge.f32 v15, v18  }
0x69: {  	v17, v19, _ =	vpop (xrf1);
	v26 =	vsel vm1, v16, v22;
	v16 =	vsel vm1, v22, v16;
	v22 =	vmax.f32 v15, v18  }
0x6a: {  	vm0 =	vge.f32 v9, v13;
	v20 =	vmax.f32 v9, v13;
	v21, v23, _ =	vpop (xrf1);
	v15 =	vmin.f32 v15, v18  }
0x6b: {  	v24 =	vsel vm0, v10, v14;
	v10 =	vsel vm0, v14, v10;
	v14, v25, _ =	vpop (xrf1);
	(xrf1) =	vsort.dscd.msk.f32 $0xffff, v22, v26  }
0x6c: {  	v9 =	vmin.f32 v9, v13;
	vm0 =	vge.f32 v11, v17;
	v27, v28, _ =	vpop (xrf1);
	(xrf1) =	vsort.dscd.msk.f32 $0xffff, v15, v16  }
0x6d: {  	v26 =	vsel vm0, v12, v19;
	v12 =	vsel vm0, v19, v12;
	v18, v22, _ =	vpop (xrf1);
	(xrf1) =	vsort.ascd.msk.f32 $0xffff, v9, v10  }
0x6e: {  	vm0 =	vge.f32 v21, v14;
	v16 =	vmax.f32 v11, v17;
	v13, v15, _ =	vpop (xrf1);
	(xrf1) =	vsort.ascd.msk.f32 $0xffff, v20, v24  }
0x6f: {  	v11 =	vmin.f32 v11, v17;
	v17 =	vmin.f32 v21, v14;
	v9, v10, _ =	vpop (xrf1);
	(xrf1) =	vsort.dscd.msk.f32 $0xffff, v16, v26  }
0x70: {  	v19 =	vsel vm0, v25, v23;
	vm1 =	vge.f32 v27, v13;
	v20, v24, _ =	vpop (xrf1);
	(xrf1) =	vsort.dscd.msk.f32 $0xffff, v11, v12  }
0x71: {  	v11 =	vmax.f32 v27, v13;
	vm2 =	vge.f32 v18, v9;
	v9 =	vmax.f32 v18, v9;
	v16, v26, _ =	vpop (xrf1)  }
0x72: {  	v15 =	vsel vm1, v28, v15;
	v27 =	vmax.f32 v11, v9;
	v10 =	vsel vm2, v22, v10;
	v12, v13, _ =	vpop (xrf1)  }
0x73: {  	vm2 =	vge.f32 v11, v9;
	vm3 =	vge.f32 v20, v12;
	v12 =	vmax.f32 v20, v12;
	v18, v20, _ =	vpop (xrf1)  }
0x74: {  	(xrf1) =	vsort.ascd.msk.f32 $0xffff, v17, v19;
	vm1 =	vge.f32 v16, v18;
	v16 =	vmax.f32 v16, v18  }
0x75: {  	v18 =	vmin.f32 v11, v9;
	v9 =	vsel vm3, v24, v13;
	v11 =	vsel vm2, v15, v10  }
0x76: {  	v10 =	vsel vm2, v10, v15;
	v13 =	vsel vm1, v26, v20;
	(xrf1) =	vsort.dscd.msk.f32 $0xffff, v27, v11  }
0x77: {  	vm1 =	vge.f32 v12, v16;
	(xrf1) =	vsort.dscd.msk.f32 $0xffff, v18, v10;
	v10 =	vmax.f32 v12, v16  }
0x78: {  	v15 =	vsel vm1, v13, v9;
	v9 =	vsel vm1, v9, v13  }
0x79: {  	v11 =	vmin.f32 v12, v16  }
0x7a: {  	v14 =	vmax.f32 v21, v14;
	(xrf1) =	vsort.ascd.msk.f32 $0xffff, v11, v15  }
0x7b: {  	v13 =	vsel vm0, v23, v25;
	(xrf1) =	vsort.ascd.msk.f32 $0xffff, v10, v9;
	v9, v10, _ =	vpop (xrf1)  }
0x7c: {  	s19 =	sadd.s32 $0x100, s19;
	v11, v12, _ =	vpop (xrf1)  }
0x7d: {  	v17 =	vld [tilespmem:s19+$0x0];
	v15, v16, _ =	vpop (xrf1)  }
0x7e: {  	v18 =	vld [tilespmem:s19+$0x10];
	(xrf1) =	vsort.ascd.msk.f32 $0xffff, v14, v13;
	v13, v14, _ =	vpop (xrf1)  }
0x7f: {  	vm1 =	vge.f32 v11, v13;
	v11 =	vmax.f32 v11, v13;
	v13 =	vld [tilespmem:s19+$0x20]  }
0x80: {  	vm0 =	vge.f32 v9, v15;
	v9 =	vmax.f32 v9, v15;
	v12 =	vsel vm1, v12, v14;
	v14 =	vld [tilespmem:s19+$0x30]  }
0x81: {  	v10 =	vsel vm0, v10, v16;
	vm0 =	vge.f32 v9, v11  }
0x82: {  	v19 =	vmax.f32 v9, v11;
	v9 =	vmin.f32 v9, v11;
	v20 =	vsel vm0, v10, v12  }
0x83: {  	v10 =	vsel vm0, v12, v10;
	v12 =	vmul.f32 v17, v0;
	(xrf1) =	vsort.dscd.msk.f32 $0xffff, v19, v20  }
0x84: {  	v15, v16, _ =	vpop (xrf1);
	v11 =	vld [tilespmem:s19+$0x40];
	(xrf1) =	vsort.dscd.msk.f32 $0xffff, v9, v10;
	v9 =	vmul.f32 v18, v1;
	v23 =	vmul.f32 v13, v2  }
0x85: {  	v21, v22, _ =	vpop (xrf1);
	v19 =	vld [tilespmem:s19+$0x50];
	v24 =	vmul.f32 v14, v3  }
0x86: {  	v10, v20, _ =	vpop (xrf1)  }
0x87: {  	(xrf1) =	vsort.dscd.msk.f32 $0xffff, v12, v17;
	v12, v17, _ =	vpop (xrf1)  }
0x88: {  	(xrf1) =	vsort.ascd.msk.f32 $0xffff, v9, v18;
	v9, v18, _ =	vpop (xrf1)  }
0x89: {  	v25 =	vld [tilespmem:s19+$0xFFFFFF90];
	v26 =	vmul.f32 v11, v4;
	(xrf1) =	vsort.dscd.msk.f32 $0xffff, v23, v13;
	v13, v23, _ =	vpop (xrf1)  }
0x8a: {  	v27 =	vld [tilespmem:s19+$0x60];
	v28 =	vmul.f32 v19, v5;
	(xrf1) =	vsort.ascd.msk.f32 $0xffff, v24, v14;
	vm0 =	vge.f32 v12, v13;
	v14, v24, _ =	vpop (xrf1)  }
0x8b: {  	v29 =	vld [tilespmem:s19+$0x70];
	v12 =	vmax.f32 v12, v13;
	vm1 =	vge.f32 v9, v14;
	v13 =	vmax.f32 v9, v14  }
0x8c: {  	v9 =	vld [tilespmem:s19+$0xFFFFFFA0];
	v17 =	vsel vm0, v17, v23;
	v18 =	vsel vm1, v18, v24;
	vm0 =	vge.f32 v12, v13  }
0x8d: {  	(xrf1) =	vsort.dscd.msk.f32 $0xffff, v26, v11;
	v14 =	vld [tilespmem:s19+$0xFFFFFFB0];
	v11 =	vmin.f32 v12, v13;
	v23 =	vsel vm0, v18, v17  }
0x8e: {  	v26 =	vmul.f32 v25, v1;
	v24 =	vld [tilespmem:s19+$0xFFFFFFC0];
	(xrf1) =	vsort.dscd.msk.f32 $0xffff, v11, v23  }
0x8f: {  	v11 =	vmul.f32 v27, v6;
	(xrf1) =	vsort.ascd.msk.f32 $0xffff, v28, v19  }
0x90: {  	v28 =	vld [tilespmem:s19+$0xFFFFFF80];
	v19 =	vmul.f32 v29, v7;
	(xrf1) =	vsort.ascd.msk.f32 $0xffff, v26, v25  }
0x91: {  	vm1 =	vge.f32 v15, v10;
	v23 =	vld [tilespmem:s19+$0xFFFFFFD0];
	(xrf1) =	vsort.dscd.msk.f32 $0xffff, v11, v27  }
0x92: {  	(xrf1) =	vsort.ascd.msk.f32 $0xffff, v19, v29;
	v19 =	vmax.f32 v15, v10;
	v10 =	vmul.f32 v14, v3  }
0x93: {  	v25 =	vld [tilespmem:s19+$0xFFFFFFE0];
	v11 =	vmul.f32 v9, v2;
	v30 =	vmul.f32 v24, v4  }
0x94: {  	v26 =	vld [tilespmem:s19+$0xFFFFFFF0]  }
0x95: {  	v20 =	vsel vm1, v16, v20;
	v27, v29, _ =	vpop (xrf1);
	(xrf1) =	vsort.dscd.msk.f32 $0xffff, v11, v9;
	v31 =	vmul.f32 v28, v0  }
0x96: {  	v16, v15, _ =	vpop (xrf1);
	v9 =	vmul.f32 v23, v5;
	vm1 =	vge.f32 v21, v27;
	(xrf1) =	vsort.ascd.msk.f32 $0xffff, v10, v14  }
0x97: {  	v21 =	vmax.f32 v21, v27;
	v22 =	vsel vm1, v22, v29;
	(xrf1) =	vsort.dscd.msk.f32 $0xffff, v30, v24;
	v11, v10, _ =	vpop (xrf1)  }
0x98: {  	vm1 =	vge.f32 v19, v21;
	v14 =	vmul.f32 v25, v6;
	(xrf1) =	vsort.dscd.msk.f32 $0xffff, v31, v28;
	v27, v30, _ =	vpop (xrf1)  }
0x99: {  	v24 =	vmul.f32 v26, v7;
	(xrf1) =	vsort.ascd.msk.f32 $0xffff, v9, v23;
	v9 =	vsel vm1, v22, v20;
	v28, v29, _ =	vpop (xrf1)  }
0x9a: {  	(xrf1) =	vsort.dscd.msk.f32 $0xffff, v14, v25;
	v14 =	vmin.f32 v19, v21;
	v23, v31, _ =	vpop (xrf1)  }
0x9b: {  	(xrf1) =	vsort.ascd.msk.f32 $0xffff, v24, v26;
	vm2 =	vge.f32 v27, v28;
	v25, v32, _ =	vpop (xrf1)  }
0x9c: {  	v24 =	vmax.f32 v27, v28;
	v27 =	vmin.f32 v27, v28;
	(xrf1) =	vsort.ascd.msk.f32 $0xffff, v14, v9;
	v33, v34, _ =	vpop (xrf1)  }
0x9d: {  	v26 =	vsel vm2, v30, v29;
	v28 =	vmax.f32 v23, v25;
	v35 =	vmin.f32 v23, v25;
	v14, v9, _ =	vpop (xrf1)  }
0x9e: {  	(xrf1) =	vsort.dscd.msk.f32 $0xffff, v24, v26;
	v24 =	vsel vm2, v29, v30;
	vm2 =	vge.f32 v23, v25;
	v23, v25, _ =	vpop (xrf1)  }
0x9f: {  	v26 =	vsel vm2, v32, v31;
	(xrf1) =	vsort.dscd.msk.f32 $0xffff, v27, v24;
	v30, v36, _ =	vpop (xrf1)  }
0xa0: {  	v24 =	vsel vm2, v31, v32;
	(xrf1) =	vsort.ascd.msk.f32 $0xffff, v35, v26;
	v29 =	vmax.f32 v33, v23;
	v27, v31, _ =	vpop (xrf1)  }
0xa1: {  	vm2 =	vge.f32 v33, v23;
	v23 =	vmin.f32 v33, v23;
	(xrf1) =	vsort.ascd.msk.f32 $0xffff, v28, v24;
	v46, v47, _ =	vpop (xrf1)  }
0xa2: {  	v26 =	vsel vm2, v34, v25;
	v24 =	vsel vm2, v25, v34;
	vm2 =	vge.f32 v27, v46  }
0xa3: {  	(xrf1) =	vsort.dscd.msk.f32 $0xffff, v29, v26;
	v26 =	vsel vm2, v47, v31  }
0xa4: {  	v25 =	vmin.f32 v27, v46  }
0xa5: {  	(xrf1) =	vsort.dscd.msk.f32 $0xffff, v23, v24;
	v24 =	vmax.f32 v27, v46;
	v27 =	vsel vm2, v31, v47  }
0xa6: {  	v28, v23, _ =	vpop (xrf1);
	(xrf1) =	vsort.ascd.msk.f32 $0xffff, v25, v26  }
0xa7: {  	v25, v26, _ =	vpop (xrf1);
	(xrf1) =	vsort.ascd.msk.f32 $0xffff, v24, v27  }
0xa8: {  	v27, v29, _ =	vpop (xrf1)  }
0xa9: {  	v31, v24, _ =	vpop (xrf1)  }
0xaa: {  	vm2 =	vge.f32 v28, v25;
	v48, v49, _ =	vpop (xrf1)  }
0xab: {  	vm3 =	vge.f32 v31, v30;
	v42 =	vmax.f32 v31, v30;
	v30 =	vmin.f32 v31, v30;
	v51, v37, _ =	vpop (xrf1)  }
0xac: {  	v50 =	vmax.f32 v28, v25;
	v38 =	vsel vm2, v23, v26;
	v26 =	vsel vm2, v26, v23;
	v39, v40, _ =	vpop (xrf1)  }
0xad: {  	v25 =	vmin.f32 v28, v25;
	v41 =	vsel vm3, v24, v36;
	v36 =	vsel vm3, v36, v24;
	v24, v23, _ =	vpop (xrf1)  }
0xae: {  	vm2 =	vge.f32 v27, v48;
	(xrf1) =	vsort.dscd.msk.f32 $0xffff, v42, v41;
	v31, v43, _ =	vpop (xrf1)  }
0xaf: {  	v52 =	vsel vm2, v29, v49;
	v29 =	vsel vm2, v49, v29;
	(xrf1) =	vsort.dscd.msk.f32 $0xffff, v30, v36;
	v28, v30, _ =	vpop (xrf1)  }
0xb0: {  	v53 =	vmax.f32 v27, v48;
	v27 =	vmin.f32 v27, v48;
	(xrf1) =	vsort.ascd.msk.f32 $0xffff, v25, v26;
	v25, v26, _ =	vpop (xrf1)  }
0xb1: {  	vm2 =	vge.f32 v51, v39;
	(xrf1) =	vsort.ascd.msk.f32 $0xffff, v50, v38;
	v34, v38, _ =	vpop (xrf1)  }
0xb2: {  	v55 =	vmin.f32 v51, v39;
	v54 =	vsel vm2, v40, v37;
	(xrf1) =	vsort.dscd.msk.f32 $0xffff, v53, v52;
	v33, v41, _ =	vpop (xrf1)  }
0xb3: {  	(xrf1) =	vsort.dscd.msk.f32 $0xffff, v27, v29;
	vm3 =	vge.f32 v31, v25;
	v25 =	vmax.f32 v31, v25;
	v27, v29, _ =	vpop (xrf1)  }
0xb4: {  	v26 =	vsel vm3, v43, v26;
	vm3 =	vge.f32 v28, v34;
	v28 =	vmax.f32 v28, v34;
	v31, v56, _ =	vpop (xrf1)  }
0xb5: {  	(xrf1) =	vsort.ascd.msk.f32 $0xffff, v55, v54;
	v30 =	vsel vm3, v30, v38;
	vm3 =	vge.f32 v33, v31;
	v58, v57, _ =	vpop (xrf1)  }
0xb6: {  	v59 =	vmax.f32 v25, v28;
	v41 =	vsel vm3, v41, v56;
	vm3 =	vge.f32 v27, v58  }
0xb7: {  	v31 =	vmax.f32 v33, v31;
	v29 =	vsel vm3, v29, v57;
	vm3 =	vge.f32 v25, v28  }
0xb8: {  	v27 =	vmax.f32 v27, v58;
	v25 =	vmin.f32 v25, v28;
	v28 =	vsel vm3, v26, v30  }
0xb9: {  	v26 =	vsel vm3, v30, v26;
	vm3 =	vge.f32 v31, v27;
	(xrf1) =	vsort.dscd.msk.f32 $0xffff, v59, v28  }
0xba: {  	(xrf1) =	vsort.dscd.msk.f32 $0xffff, v25, v26;
	v26 =	vsel vm3, v41, v29  }
0xbb: {  	v25 =	vmax.f32 v31, v27  }
0xbc: {  	v28 =	vmin.f32 v31, v27;
	v30 =	vsel vm3, v29, v41  }
0xbd: {  	v19 =	vmax.f32 v19, v21;
	v21 =	vsel vm2, v37, v40;
	(xrf1) =	vsort.ascd.msk.f32 $0xffff, v28, v30  }
0xbe: {  	(xrf1) =	vsort.ascd.msk.f32 $0xffff, v25, v26;
	v25, v26, _ =	vpop (xrf1)  }
0xbf: {  	v20 =	vsel vm1, v20, v22;
	v22, v27, _ =	vpop (xrf1)  }
0xc0: {  	s19 =	sadd.s32 $0x100, s19;
	v28 =	vmax.f32 v51, v39;
	v29, v30, _ =	vpop (xrf1)  }
0xc1: {  	v17 =	vsel vm0, v17, v18;
	(xrf1) =	vsort.ascd.msk.f32 $0xffff, v28, v21;
	v28 =	vld [tilespmem:s19+$0x0];
	v18, v21, _ =	vpop (xrf1)  }
0xc2: {  	vm1 =	vge.f32 v22, v18;
	v18 =	vmax.f32 v22, v18;
	v22 =	vld [tilespmem:s19+$0x10]  }
0xc3: {  	vm0 =	vge.f32 v25, v29;
	v25 =	vmax.f32 v25, v29;
	v21 =	vsel vm1, v27, v21;
	v27 =	vld [tilespmem:s19+$0x20]  }
0xc4: {  	v26 =	vsel vm0, v26, v30;
	vm0 =	vge.f32 v25, v18  }
0xc5: {  	(xrf1) =	vsort.ascd.msk.f32 $0xffff, v19, v20;
	v19 =	vmax.f32 v25, v18;
	v20 =	vsel vm0, v26, v21  }
0xc6: {  	v29 =	vld [tilespmem:s19+$0x30];
	v18 =	vmin.f32 v25, v18;
	v21 =	vsel vm0, v21, v26;
	(xrf1) =	vsort.dscd.msk.f32 $0xffff, v19, v20  }
0xc7: {  	v12 =	vmax.f32 v12, v13;
	v13 =	vld [tilespmem:s19+$0x50];
	v30, v31, _ =	vpop (xrf1);
	(xrf1) =	vsort.dscd.msk.f32 $0xffff, v18, v21;
	v21 =	vmul.f32 v22, v1  }
0xc8: {  	v19 =	vld [tilespmem:s19+$0x40];
	v18 =	vmul.f32 v28, v0;
	v20, v32, _ =	vpop (xrf1);
	(xrf1) =	vsort.dscd.msk.f32 $0xffff, v12, v17;
	v12 =	vmul.f32 v27, v2  }
0xc9: {  	v60, v61, _ =	vpop (xrf1)  }
0xca: {  	(xrf1) =	vsort.dscd.msk.f32 $0xffff, v18, v28;
	v17, v25, _ =	vpop (xrf1)  }
0xcb: {  	v63 =	vld [tilespmem:s19+$0x60];
	v18 =	vmul.f32 v29, v3;
	(xrf1) =	vsort.ascd.msk.f32 $0xffff, v21, v22;
	v21, v26, _ =	vpop (xrf1)  }
0xcc: {  	v44 =	vmul.f32 v13, v5;
	v28 =	vld [tilespmem:s19+$0xFFFFFF90];
	(xrf1) =	vsort.dscd.msk.f32 $0xffff, v12, v27;
	v12, v27, _ =	vpop (xrf1)  }
0xcd: {  	v45 =	vld [tilespmem:s19+$0x70];
	v62 =	vmul.f32 v19, v4;
	(xrf1) =	vsort.ascd.msk.f32 $0xffff, v18, v29;
	vm0 =	vge.f32 v17, v12;
	v22, v29, _ =	vpop (xrf1)  }
0xce: {  	v46 =	vld [tilespmem:s19+$0xFFFFFFC0];
	v18 =	vmax.f32 v17, v12;
	vm1 =	vge.f32 v21, v22;
	v22 =	vmax.f32 v21, v22  }
0xcf: {  	v12 =	vld [tilespmem:s19+$0xFFFFFFA0];
	v25 =	vsel vm0, v25, v27;
	v26 =	vsel vm1, v26, v29;
	vm0 =	vge.f32 v18, v22  }
0xd0: {  	v47 =	vld [tilespmem:s19+$0xFFFFFFD0];
	(xrf1) =	vsort.dscd.msk.f32 $0xffff, v62, v19;
	v17 =	vmin.f32 v18, v22;
	v19 =	vsel vm0, v26, v25  }
0xd1: {  	v48 =	vld [tilespmem:s19+$0xFFFFFF80];
	v21 =	vmul.f32 v28, v1;
	(xrf1) =	vsort.dscd.msk.f32 $0xffff, v17, v19  }
0xd2: {  	v29 =	vld [tilespmem:s19+$0xFFFFFFB0];
	v17 =	vmul.f32 v63, v6;
	(xrf1) =	vsort.ascd.msk.f32 $0xffff, v44, v13  }
0xd3: {  	v13 =	vmul.f32 v45, v7;
	(xrf1) =	vsort.ascd.msk.f32 $0xffff, v21, v28  }
0xd4: {  	v19 =	vmul.f32 v14, v8;
	v14 =	vmul.f32 v12, v2;
	(xrf1) =	vsort.dscd.msk.f32 $0xffff, v17, v63  }
0xd5: {  	v52 =	vld [tilespmem:s19+$0xFFFFFFF0];
	v51, v50, _ =	vpop (xrf1);
	(xrf1) =	vsort.ascd.msk.f32 $0xffff, v13, v45  }
0xd6: {  	v49 =	vld [tilespmem:s19+$0xFFFFFFE0];
	v54 =	vmul.f32 v46, v4;
	v55 =	vmul.f32 v47, v5;
	v28, v27, _ =	vpop (xrf1)  }
0xd7: {  	v56 =	vmul.f32 v48, v0;
	v53 =	vmul.f32 v29, v3;
	v21, v17, _ =	vpop (xrf1)  }
0xd8: {  	vm1 =	vge.f32 v30, v60;
	v30 =	vmax.f32 v30, v60;
	(xrf1) =	vsort.dscd.msk.f32 $0xffff, v14, v12;
	v14, v13, _ =	vpop (xrf1)  }
0xd9: {  	v34 =	vmax.f32 v20, v51;
	v31 =	vsel vm1, v31, v61;
	(xrf1) =	vsort.ascd.msk.f32 $0xffff, v53, v29;
	v29 =	vmin.f32 v19, $4.000000000e+01;
	v19, v12, _ =	vpop (xrf1)  }
0xda: {  	vm1 =	vge.f32 v20, v51;
	v20 =	vmul.f32 v52, v7;
	(xrf1) =	vsort.dscd.msk.f32 $0xffff, v54, v46;
	v58, v59, _ =	vpop (xrf1)  }
0xdb: {  	v57 =	vmul.f32 v49, v6;
	v62 =	vmin.f32 v30, v34;
	v29 =	vmul.f32 $1.442695020e+00, v29;
	(xrf1) =	vsort.dscd.msk.f32 $0xffff, v56, v48;
	v60, v61, _ =	vpop (xrf1)  }
0xdc: {  	v32 =	vsel vm1, v32, v50;
	vm1 =	vge.f32 v30, v34;
	(xrf1) =	vsort.ascd.msk.f32 $0xffff, v55, v47;
	v38, v39, _ =	vpop (xrf1)  }
0xdd: {  	(erf) = vpow2.f32 v29;
	v29 =	vsel vm1, v32, v31;
	(xrf1) =	vsort.dscd.msk.f32 $0xffff, v57, v49;
	vm2 =	vge.f32 v58, v60;
	v48, v63, _ =	vpop (xrf1)  }
0xde: {  	v35 =	vmin.f32 v58, v60;
	(xrf1) =	vsort.ascd.msk.f32 $0xffff, v20, v52;
	v49 =	vsel vm2, v59, v61;
	v50, v44, _ =	vpop (xrf1)  }
0xdf: {  	(xrf1) =	vsort.ascd.msk.f32 $0xffff, v62, v29;
	v29 =	vmax.f32 v58, v60;
	v51 =	vmax.f32 v38, v48;
	v46, v20, _ =	vpop (xrf1)  }
0xe0: {  	(xrf1) =	vsort.dscd.msk.f32 $0xffff, v29, v49;
	v29 =	vsel vm2, v61, v59;
	vm2 =	vge.f32 v38, v48;
	v52, v53, _ =	vpop (xrf1)  }
0xe1: {  	v45 =	vmin.f32 v38, v48;
	v38 =	vsel vm2, v63, v39;
	(xrf1) =	vsort.dscd.msk.f32 $0xffff, v35, v29;
	v55, v47, _ =	vpop (xrf1)  }
0xe2: {  	v29 =	vsel vm2, v39, v63;
	(xrf1) =	vsort.ascd.msk.f32 $0xffff, v45, v38;
	vm2 =	vge.f32 v50, v52;
	v56, v57, _ =	vpop (xrf1)  }
0xe3: {  	v54 =	vmax.f32 v50, v52;
	v33 =	vmin.f32 v50, v52;
	v58 =	vsel vm2, v44, v53;
	v60, v59, _ =	vpop (xrf1)  }
0xe4: {  	(xrf1) =	vsort.ascd.msk.f32 $0xffff, v51, v29;
	v29 =	vsel vm2, v53, v44;
	vm2 =	vge.f32 v56, v60  }
0xe5: {  	(xrf1) =	vsort.dscd.msk.f32 $0xffff, v54, v58;
	v61 =	vmin.f32 v56, v60;
	v39 =	vsel vm2, v57, v59  }
0xe6: {  	v36 =	vpop (erf);
	v35 =	vmax.f32 v56, v60;
	v62 =	vsel vm2, v59, v57;
	(xrf1) =	vsort.dscd.msk.f32 $0xffff, v33, v29  }
0xe7: {  	v29, v33, _ =	vpop (xrf1);
	(xrf1) =	vsort.ascd.msk.f32 $0xffff, v61, v62  }
0xe8: {  	v37, v38, _ =	vpop (xrf1);
	(xrf1) =	vsort.ascd.msk.f32 $0xffff, v35, v39  }
0xe9: {  	vm2 =	vge.f32 v16, v24;
	v35, v39, _ =	vpop (xrf1)  }
0xea: {  	v24 =	vmax.f32 v16, v24;
	v23 =	vsel vm2, v15, v23;
	v15, v16, _ =	vpop (xrf1)  }
0xeb: {  	v31 =	vsel vm1, v31, v32;
	v40 =	vmul.f32 v46, v8;
	v32, v63, _ =	vpop (xrf1)  }
0xec: {  	vm2 =	vge.f32 v29, v37;
	v52 =	vmax.f32 v29, v37;
	vm3 =	vge.f32 v15, v55;
	v42, v43, _ =	vpop (xrf1)  }
0xed: {  	v29 =	vmin.f32 v29, v37;
	v54 =	vmax.f32 v15, v55;
	v53 =	vsel vm3, v16, v47;
	v48, v49, _ =	vpop (xrf1)  }
0xee: {  	v41 =	vmin.f32 v15, v55;
	v47 =	vsel vm3, v47, v16;
	(xrf1) =	vsort.dscd.msk.f32 $0xffff, v54, v53;
	v15, v16, _ =	vpop (xrf1)  }
0xef: {  	v55 =	vsel vm2, v38, v33;
	vm3 =	vge.f32 v35, v32;
	(xrf1) =	vsort.dscd.msk.f32 $0xffff, v41, v47;
	v56, v46, _ =	vpop (xrf1)  }
0xf0: {  	v33 =	vsel vm2, v33, v38;
	(xrf1) =	vsort.ascd.msk.f32 $0xffff, v29, v55;
	v29 =	vsel vm3, v39, v63;
	v58, v57, _ =	vpop (xrf1)  }
0xf1: {  	v30 =	vmax.f32 v30, v34;
	v62 =	vmax.f32 v35, v32;
	v32 =	vmin.f32 v35, v32;
	v60, v59, _ =	vpop (xrf1)  }
0xf2: {  	v61 =	vsel vm3, v63, v39;
	vm2 =	vge.f32 v42, v48;
	(xrf1) =	vsort.ascd.msk.f32 $0xffff, v52, v33;
	v54, v50, _ =	vpop (xrf1)  }
0xf3: {  	v40 =	vmin.f32 v40, $4.000000000e+01;
	v63 =	vsel vm2, v49, v43;
	v55 =	vmin.f32 v42, v48;
	(xrf1) =	vsort.dscd.msk.f32 $0xffff, v62, v29;
	v29, v34, _ =	vpop (xrf1)  }
0xf4: {  	v40 =	vmul.f32 $1.442695020e+00, v40;
	(xrf1) =	vsort.dscd.msk.f32 $0xffff, v32, v61;
	vm3 =	vge.f32 v56, v60;
	v37 =	vmax.f32 v56, v60;
	v32, v33, _ =	vpop (xrf1)  }
0xf5: {  	v56 =	vsel vm3, v46, v59;
	vm3 =	vge.f32 v58, v54;
	v38 =	vmax.f32 v58, v54;
	v46, v47, _ =	vpop (xrf1)  }
0xf6: {  	v51 =	vadd.f32 $1.000000000e+00, v36;
	(xrf1) =	vsort.ascd.msk.f32 $0xffff, v55, v63;
	v41 =	vsel vm3, v57, v50;
	vm3 =	vge.f32 v29, v46;
	v57, v58, _ =	vpop (xrf1)  }
0xf7: {  	v59 =	vmax.f32 v37, v38;
	v34 =	vsel vm3, v34, v47;
	vm3 =	vge.f32 v32, v57  }
0xf8: {  	v29 =	vmax.f32 v29, v46;
	v33 =	vsel vm3, v33, v58;
	vm3 =	vge.f32 v37, v38  }
0xf9: {  	v32 =	vmax.f32 v32, v57;
	v37 =	vmin.f32 v37, v38;
	v60 =	vsel vm3, v56, v41  }
0xfa: {  	(erf) = vrcp.f32 v51;
	v61 =	vsel vm3, v41, v56;
	vm3 =	vge.f32 v29, v32;
	(xrf1) =	vsort.dscd.msk.f32 $0xffff, v59, v60  }
0xfb: {  	(erf) = vpow2.f32 v40;
	v62 =	vmin.f32 v29, v32;
	v63 =	vsel vm3, v33, v34;
	(xrf1) =	vsort.dscd.msk.f32 $0xffff, v37, v61  }
0xfc: {  	v29 =	vmax.f32 v29, v32;
	v41 =	vsel vm3, v34, v33;
	(xrf1) =	vsort.ascd.msk.f32 $0xffff, v62, v63  }
0xfd: {  	vm1 =	vge.f32 v11, v28;
	v33, v34, _ =	vpop (xrf1);
	(xrf1) =	vsort.ascd.msk.f32 $0xffff, v29, v41;
	v29 =	vsel vm2, v43, v49  }
0xfe: {  	v11 =	vmax.f32 v11, v28;
	v10 =	vsel vm1, v10, v27;
	v27, v28, _ =	vpop (xrf1)  }
0xff: {  	v43 =	vmax.f32 v42, v48;
	v35, v37, _ =	vpop (xrf1)  }
0x100: {  	vm1 =	vge.f32 v24, v11;
	(xrf1) =	vsort.ascd.msk.f32 $0xffff, v43, v29;
	vm2 =	vge.f32 v33, v35;
	v29, v32, _ =	vpop (xrf1)  }
0x101: {  	v33 =	vmax.f32 v33, v35;
	(xrf1) =	vsort.ascd.msk.f32 $0xffff, v30, v31;
	vm3 =	vge.f32 v27, v29  }
0x102: {  	s19 =	sadd.s32 $0x100, s19;
	v27 =	vmax.f32 v27, v29;
	v29 =	vsel vm2, v34, v37;
	v28 =	vsel vm3, v28, v32  }
0x103: {  	v45 =	vld [tilespmem:s19+$0x0];
	v46 =	vpop (erf);
	vm2 =	vge.f32 v33, v27;
	v30 =	vmax.f32 v33, v27;
	v27 =	vmin.f32 v33, v27  }
0x104: {  	v44 =	vsel vm1, v23, v10;
	v10 =	vsel vm1, v10, v23;
	v23 =	vpop (erf);
	v31 =	vld [tilespmem:s19+$0x10];
	v32 =	vsel vm2, v29, v28  }
0x105: {  	v25 =	vsel vm0, v25, v26;
	v26 =	vadd.f32 $1.000000000e+00, v23;
	v28 =	vsel vm2, v28, v29;
	v29 =	vld [tilespmem:s19+$0x20];
	(xrf1) =	vsort.dscd.msk.f32 $0xffff, v30, v32  }
0x106: {  	v30 =	vmax.f32 v24, v11;
	(xrf1) =	vsort.dscd.msk.f32 $0xffff, v27, v28  }
0x107: {  	v47 =	vld [tilespmem:s19+$0x30];
	v11 =	vmin.f32 v24, v11;
	v24, v27, _ =	vpop (xrf1);
	(xrf1) =	vsort.dscd.msk.f32 $0xffff, v30, v44;
	v30 =	vadd.f32 $-1.000000000e+00, v36  }
0x108: {  	v18 =	vmax.f32 v18, v22;
	v22 =	vmul.f32 v45, v0;
	v28 =	vld [tilespmem:s19+$0x40]  }
0x109: {  	v33, v36, _ =	vpop (xrf1);
	(xrf1) =	vsort.dscd.msk.f32 $0xffff, v11, v10;
	v10 =	vmul.f32 v31, v1  }
0x10a: {  	(erf) = vrcp.f32 v26;
	v48 =	vld [tilespmem:s19+$0x50];
	v11, v26, _ =	vpop (xrf1);
	(xrf1) =	vsort.dscd.msk.f32 $0xffff, v18, v25;
	v25 =	vmul.f32 v29, v2  }
0x10b: {  	(xrf1) =	vsort.dscd.msk.f32 $0xffff, v22, v45  }
0x10c: {  	v49 =	vmul.f32 v47, v3;
	v18 =	vmul.f32 v46, v30;
	(xrf1) =	vsort.ascd.msk.f32 $0xffff, v10, v31;
	v22, v30, _ =	vpop (xrf1)  }
0x10d: {  	v51 =	vld [tilespmem:s19+$0x60];
	v50 =	vmul.f32 v28, v4;
	(xrf1) =	vsort.dscd.msk.f32 $0xffff, v25, v29;
	v10, v31, _ =	vpop (xrf1)  }
0x10e: {  	v18 =	vmul.f32 v18, v9;
	v9 =	vld [tilespmem:s19+$0xFFFFFF90];
	(xrf1) =	vsort.ascd.msk.f32 $0xffff, v49, v47;
	v25, v29, _ =	vpop (xrf1)  }
0x10f: {  	v53 =	vld [tilespmem:s19+$0x70];
	v52 =	vmul.f32 v48, v5;
	(xrf1) =	vsort.dscd.msk.f32 $0xffff, v50, v28;
	vm0 =	vge.f32 v22, v25;
	v32, v34, _ =	vpop (xrf1)  }
0x110: {  	v22 =	vmax.f32 v22, v25;
	vm1 =	vge.f32 v10, v32;
	v25 =	vmax.f32 v10, v32;
	v10 =	vld [tilespmem:s19+$0xFFFFFFA0]  }
0x111: {  	v29 =	vsel vm0, v30, v29;
	v30 =	vsel vm1, v31, v34;
	vm0 =	vge.f32 v22, v25  }
0x112: {  	v31 =	vld [tilespmem:s19+$0xFFFFFFB0];
	v28 =	vmin.f32 v22, v25;
	vm1 =	vge.f32 v21, v15;
	v54 =	vsel vm0, v30, v29  }
0x113: {  	v56 =	vmul.f32 v9, v1;
	v37 =	vsel vm1, v17, v16;
	v16 =	vadd.f32 $-1.000000000e+00, v23;
	(xrf1) =	vsort.dscd.msk.f32 $0xffff, v28, v54  }
0x114: {  	v55 =	vld [tilespmem:s19+$0xFFFFFFC0];
	v17 =	vmul.f32 v53, v7;
	(xrf1) =	vsort.ascd.msk.f32 $0xffff, v52, v48  }
0x115: {  	v57 =	vmul.f32 v51, v6;
	v23, v58, _ =	vpop (xrf1);
	v28 =	vld [tilespmem:s19+$0xFFFFFF80];
	(xrf1) =	vsort.ascd.msk.f32 $0xffff, v56, v9;
	v9 =	vmul.f32 v10, v2  }
0x116: {  	v59 =	vld [tilespmem:s19+$0xFFFFFFD0];
	v60 =	vmul.f32 v19, v8;
	v15 =	vmax.f32 v21, v15;
	v21 =	vpop (erf)  }
0x117: {  	v61 =	vld [tilespmem:s19+$0xFFFFFFE0];
	v42, v43, _ =	vpop (xrf1);
	v62 =	vmul.f32 v21, v16;
	(xrf1) =	vsort.dscd.msk.f32 $0xffff, v57, v51;
	v21 =	vmul.f32 v31, v3  }
0x118: {  	v63 =	vld [tilespmem:s19+$0xFFFFFFF0];
	vm1 =	vge.f32 v24, v11;
	v24 =	vmax.f32 v24, v11;
	v11 =	vmin.f32 v60, $4.000000000e+01;
	v45, v16, _ =	vpop (xrf1);
	(xrf1) =	vsort.ascd.msk.f32 $0xffff, v17, v53  }
0x119: {  	v48 =	vmul.f32 v55, v4;
	v19, v17, _ =	vpop (xrf1);
	(xrf1) =	vsort.dscd.msk.f32 $0xffff, v9, v10  }
0x11a: {  	v49 =	vmul.f32 v28, v0;
	v46, v9, _ =	vpop (xrf1);
	(xrf1) =	vsort.ascd.msk.f32 $0xffff, v21, v31  }
0x11b: {  	v27 =	vsel vm1, v27, v26;
	v31 =	vmul.f32 v59, v5;
	v21, v10, _ =	vpop (xrf1);
	(xrf1) =	vsort.dscd.msk.f32 $0xffff, v48, v55  }
0x11c: {  	v50 =	vmul.f32 $1.442695020e+00, v11;
	vm1 =	vge.f32 v33, v23;
	v51 =	vmul.f32 v61, v6;
	v26, v11, _ =	vpop (xrf1);
	(xrf1) =	vsort.dscd.msk.f32 $0xffff, v49, v28  }
0x11d: {  	v28 =	vmax.f32 v33, v23;
	v23 =	vmul.f32 v63, v7;
	v52, v40, _ =	vpop (xrf1);
	(xrf1) =	vsort.ascd.msk.f32 $0xffff, v31, v59  }
0x11e: {  	v22 =	vmax.f32 v22, v25;
	v29 =	vsel vm0, v29, v30;
	v53, v54, _ =	vpop (xrf1);
	(xrf1) =	vsort.dscd.msk.f32 $0xffff, v51, v61  }
0x11f: {  	(erf) = vpow2.f32 v50;
	v60, v61, _ =	vpop (xrf1);
	(xrf1) =	vsort.ascd.msk.f32 $0xffff, v23, v63;
	v23 =	vmul.f32 v62, v20;
	v20 =	vmax.f32 v52, v53  }
0x120: {  	v31 =	vsel vm1, v36, v58;
	vm1 =	vge.f32 v24, v28;
	v59 =	vmin.f32 v24, v28  }
0x121: {  	v28 =	vmax.f32 v24, v28;
	v58 =	vsel vm1, v31, v27;
	vm2 =	vge.f32 v52, v53;
	v55, v62, _ =	vpop (xrf1)  }
0x122: {  	v27 =	vsel vm1, v27, v31;
	(xrf1) =	vsort.ascd.msk.f32 $0xffff, v59, v58;
	v56 =	vsel vm2, v40, v54;
	v57, v39, _ =	vpop (xrf1)  }
0x123: {  	vm1 =	vge.f32 v14, v42;
	v33 =	vmin.f32 v52, v53;
	(xrf1) =	vsort.dscd.msk.f32 $0xffff, v20, v56;
	v35, v20, _ =	vpop (xrf1)  }
0x124: {  	v36 =	vsel vm2, v54, v40;
	vm2 =	vge.f32 v60, v55;
	v58, v54, _ =	vpop (xrf1);
	v35 =	vmul.f32 v35, v8  }
0x125: {  	v63 =	vmin.f32 v60, v55;
	v41 =	vsel vm2, v62, v61;
	v50, v51, _ =	vpop (xrf1);
	(xrf1) =	vsort.dscd.msk.f32 $0xffff, v33, v36  }
0x126: {  	v14 =	vmax.f32 v14, v42;
	v59 =	vmax.f32 v57, v58;
	(xrf1) =	vsort.ascd.msk.f32 $0xffff, v63, v41;
	v35 =	vmin.f32 v35, $4.000000000e+01  }
0x127: {  	v13 =	vsel vm1, v13, v43;
	v47 =	vmax.f32 v60, v55;
	v60 =	vsel vm2, v61, v62;
	v61, v62, _ =	vpop (xrf1)  }
0x128: {  	vm1 =	vge.f32 v15, v14;
	vm2 =	vge.f32 v57, v58;
	v32 =	vmin.f32 v57, v58;
	v57, v56, _ =	vpop (xrf1)  }
0x129: {  	v33 =	vsel vm1, v37, v13;
	v55 =	vsel vm2, v39, v54;
	(xrf1) =	vsort.ascd.msk.f32 $0xffff, v47, v60;
	v58 =	vmul.f32 $1.442695020e+00, v35;
	v35 =	vpop (erf)  }
0x12a: {  	v39 =	vsel vm2, v54, v39;
	vm2 =	vge.f32 v61, v57;
	(xrf1) =	vsort.dscd.msk.f32 $0xffff, v59, v55;
	v40, v59, _ =	vpop (xrf1)  }
0x12b: {  	v63 =	vmin.f32 v61, v57;
	v52 =	vsel vm2, v56, v62;
	(xrf1) =	vsort.dscd.msk.f32 $0xffff, v32, v39;
	v31, v53, _ =	vpop (xrf1)  }
0x12c: {  	v13 =	vsel vm1, v13, v37;
	(erf) = vpow2.f32 v58;
	v55 =	vsel vm2, v62, v56;
	(xrf1) =	vsort.ascd.msk.f32 $0xffff, v63, v52;
	v36, v56, _ =	vpop (xrf1)  }
0x12d: {  	v54 =	vmax.f32 v61, v57;
	vm0 =	vge.f32 v40, v31;
	v30 =	vmax.f32 v40, v31;
	v39, v60, _ =	vpop (xrf1)  }
0x12e: {  	(xrf1) =	vsort.ascd.msk.f32 $0xffff, v54, v55;
	v63 =	vsel vm0, v59, v53;
	v24, v61, _ =	vpop (xrf1);
	vm1 =	vge.f32 v39, v50  }
0x12f: {  	v32 =	vsel vm0, v53, v59;
	v52 =	vmax.f32 v39, v50;
	v37, v62, _ =	vpop (xrf1);
	v42 =	vsel vm1, v51, v60  }
0x130: {  	v39 =	vmin.f32 v39, v50;
	v59 =	vsel vm1, v60, v51;
	vm0 =	vge.f32 v36, v24;
	v58, v57, _ =	vpop (xrf1)  }
0x131: {  	v31 =	vmin.f32 v40, v31;
	v53 =	vsel vm0, v56, v61;
	(xrf1) =	vsort.dscd.msk.f32 $0xffff, v52, v59;
	v60, v51, _ =	vpop (xrf1)  }
0x132: {  	v34 =	vsel vm0, v61, v56;
	vm0 =	vge.f32 v37, v58;
	(xrf1) =	vsort.dscd.msk.f32 $0xffff, v39, v42;
	v38, v54, _ =	vpop (xrf1)  }
0x133: {  	v50 =	vsel vm0, v62, v57;
	v43 =	vsel vm0, v57, v62;
	(xrf1) =	vsort.ascd.msk.f32 $0xffff, v31, v32;
	v62 =	vadd.f32 $1.000000000e+00, v35;
	v39, v42, _ =	vpop (xrf1)  }
0x134: {  	v21 =	vmul.f32 v21, v8;
	v61 =	vmax.f32 v36, v24;
	v31, v32, _ =	vpop (xrf1);
	(xrf1) =	vsort.ascd.msk.f32 $0xffff, v30, v63  }
0x135: {  	v36 =	vmin.f32 v36, v24;
	v52 =	vmax.f32 v37, v58;
	v40 =	vpop (erf);
	(erf) = vrcp.f32 v62  }
0x136: {  	v37 =	vmin.f32 v37, v58;
	vm0 =	vge.f32 v45, v60;
	v63 =	vadd.f32 $1.000000000e+00, v40  }
0x137: {  	v24 =	vmax.f32 v45, v60;
	v45 =	vmul.f32 v46, v8;
	v30, v44, _ =	vpop (xrf1);
	(xrf1) =	vsort.dscd.msk.f32 $0xffff, v61, v53  }
0x138: {  	vm1 =	vge.f32 v38, v31;
	v31 =	vmax.f32 v38, v31;
	v55, v56, _ =	vpop (xrf1);
	(erf) = vrcp.f32 v63;
	(xrf1) =	vsort.dscd.msk.f32 $0xffff, v36, v34  }
0x139: {  	vm2 =	vge.f32 v39, v30;
	v30 =	vmax.f32 v39, v30;
	v32 =	vsel vm1, v54, v32;
	v60, v59, _ =	vpop (xrf1)  }
0x13a: {  	v63 =	vmax.f32 v31, v30;
	v42 =	vsel vm2, v42, v44;
	vm2 =	vge.f32 v31, v30;
	v34, v36, _ =	vpop (xrf1)  }
0x13b: {  	v48 =	vmin.f32 v31, v30;
	v31 =	vsel vm2, v32, v42;
	vm3 =	vge.f32 v55, v34  }
0x13c: {  	v32 =	vsel vm2, v42, v32;
	v34 =	vmax.f32 v55, v34;
	v61, v62, _ =	vpop (xrf1);
	v30 =	vsel vm3, v56, v36  }
0x13d: {  	(xrf1) =	vsort.ascd.msk.f32 $0xffff, v37, v43;
	vm1 =	vge.f32 v60, v61;
	v38 =	vmax.f32 v60, v61  }
0x13e: {  	(xrf1) =	vsort.dscd.msk.f32 $0xffff, v63, v31;
	v49 =	vsel vm1, v59, v62;
	vm1 =	vge.f32 v34, v38;
	v63 =	vpop (erf)  }
0x13f: {  	v31 =	vmin.f32 v34, v38;
	(xrf1) =	vsort.dscd.msk.f32 $0xffff, v48, v32;
	v53 =	vsel vm1, v49, v30;
	v55, v56, _ =	vpop (xrf1)  }
0x140: {  	v54 =	vmax.f32 v34, v38;
	v30 =	vsel vm1, v30, v49;
	(xrf1) =	vsort.ascd.msk.f32 $0xffff, v31, v53;
	v25, v58, _ =	vpop (xrf1)  }
0x141: {  	v26 =	vmul.f32 v26, v8;
	v21 =	vmin.f32 v21, $4.000000000e+01;
	v60 =	vadd.f32 $-1.000000000e+00, v40;
	(xrf1) =	vsort.ascd.msk.f32 $0xffff, v54, v30;
	v59, v38, _ =	vpop (xrf1)  }
0x142: {  	v31 =	vadd.f32 $-1.000000000e+00, v35;
	v30 =	vmin.f32 v45, $4.000000000e+01;
	(xrf1) =	vsort.ascd.msk.f32 $0xffff, v52, v50;
	vm1 =	vge.f32 v55, v59;
	v62, v61, _ =	vpop (xrf1)  }
0x143: {  	s23 =	sadd.s32 $0x100, s19;
	v32 =	vmax.f32 v55, v59;
	v30 =	vmul.f32 $1.442695020e+00, v30;
	(xrf1) =	vsort.ascd.msk.f32 $0xffff, v28, v27;
	v27 =	vpop (erf);
	v28 =	vsel vm1, v56, v38  }
0x144: {  	v44 =	vld [tilespmem:s23+$0x0];
	vm2 =	vge.f32 v25, v62;
	v25 =	vmax.f32 v25, v62;
	v27 =	vmul.f32 v27, v60  }
0x145: {  	v47 =	vld [tilespmem:s23+$0x10];
	v45 =	vsel vm2, v58, v61;
	vm1 =	vge.f32 v32, v25;
	v46 =	vmax.f32 v32, v25  }
0x146: {  	v49 =	vld [tilespmem:s23+$0x20];
	v25 =	vmin.f32 v32, v25;
	v48 =	vsel vm1, v28, v45;
	v28 =	vsel vm1, v45, v28  }
0x147: {  	v50 =	vmin.f32 v26, $4.000000000e+01;
	v26 =	vmul.f32 v27, v20;
	v20 =	vmul.f32 v63, v31;
	(xrf1) =	vsort.dscd.msk.f32 $0xffff, v46, v48  }
0x148: {  	v57 =	vmax.f32 v15, v14;
	v14 =	vmin.f32 v15, v14;
	v15 =	vmul.f32 $1.442695020e+00, v21;
	(xrf1) =	vsort.dscd.msk.f32 $0xffff, v25, v28  }
0x149: {  	v27 =	vld [tilespmem:s23+$0x30];
	v25, v31, _ =	vpop (xrf1);
	v28 =	vmul.f32 v20, v12;
	v20 =	vmul.f32 v44, v0;
	(xrf1) =	vsort.dscd.msk.f32 $0xffff, v57, v33  }
0x14a: {  	v52 =	vld [tilespmem:s23+$0x40];
	(erf) = vpow2.f32 v30;
	v35, v37, _ =	vpop (xrf1);
	(xrf1) =	vsort.dscd.msk.f32 $0xffff, v14, v13;
	v14 =	vmul.f32 v47, v1  }
0x14b: {  	(erf) = vpow2.f32 v15;
	v15 =	vmul.f32 v49, v2;
	v12 =	vld [tilespmem:s23+$0x50]  }
0x14c: {  	v39 =	vsel vm0, v16, v51;
	v21 =	vmul.f32 $1.442695020e+00, v50;
	v16, v30, _ =	vpop (xrf1);
	(xrf1) =	vsort.dscd.msk.f32 $0xffff, v22, v29  }
0x14d: {  	v55 =	vld [tilespmem:s23+$0x60];
	vm0 =	vge.f32 v25, v16;
	(xrf1) =	vsort.dscd.msk.f32 $0xffff, v20, v44;
	v20, v29, _ =	vpop (xrf1)  }
0x14e: {  	(erf) = vpow2.f32 v21;
	v21 =	vld [tilespmem:s23+$0xFFFFFFB0];
	v53 =	vmul.f32 v27, v3;
	v34 =	vmax.f32 v25, v16;
	(xrf1) =	vsort.ascd.msk.f32 $0xffff, v14, v47;
	v14, v16, _ =	vpop (xrf1)  }
0x14f: {  	v54 =	vmul.f32 v52, v4;
	v13 =	vld [tilespmem:s23+$0xFFFFFF90];
	v31 =	vsel vm0, v31, v30;
	(xrf1) =	vsort.dscd.msk.f32 $0xffff, v15, v49;
	v15, v30, _ =	vpop (xrf1)  }
0x150: {  	v61 =	vld [tilespmem:s23+$0x70];
	v60 =	vmul.f32 v12, v5;
	(xrf1) =	vsort.ascd.msk.f32 $0xffff, v53, v27;
	vm0 =	vge.f32 v20, v15;
	v27, v33, _ =	vpop (xrf1)  }
0x151: {  	v22 =	vld [tilespmem:s23+$0xFFFFFFA0];
	v25 =	vmax.f32 v20, v15;
	vm1 =	vge.f32 v14, v27;
	v27 =	vmax.f32 v14, v27  }
0x152: {  	v38 =	vld [tilespmem:s23+$0xFFFFFFC0];
	v29 =	vsel vm0, v29, v30;
	v43 =	vsel vm1, v16, v33;
	vm0 =	vge.f32 v25, v27  }
0x153: {  	v56 =	vld [tilespmem:s23+$0xFFFFFF80];
	(xrf1) =	vsort.dscd.msk.f32 $0xffff, v54, v52;
	v15 =	vmin.f32 v25, v27;
	v16 =	vsel vm0, v43, v29  }
0x154: {  	v45 =	vld [tilespmem:s23+$0xFFFFFFF0];
	v62 =	vmul.f32 v13, v1;
	(xrf1) =	vsort.dscd.msk.f32 $0xffff, v15, v16;
	v15 =	vmul.f32 v55, v6  }
0x155: {  	v48 =	vpop (erf);
	v20 =	vld [tilespmem:s23+$0xFFFFFFD0];
	(xrf1) =	vsort.ascd.msk.f32 $0xffff, v60, v12;
	v12 =	vmul.f32 v61, v7  }
0x156: {  	v57 =	vmul.f32 v21, v3;
	v44 =	vld [tilespmem:s23+$0xFFFFFFE0];
	v63 =	vmul.f32 v22, v2;
	v14, v30, _ =	vpop (xrf1);
	(xrf1) =	vsort.ascd.msk.f32 $0xffff, v62, v13  }
0x157: {  	v36, v40, _ =	vpop (xrf1);
	vm1 =	vge.f32 v35, v14;
	v35 =	vmax.f32 v35, v14;
	(xrf1) =	vsort.dscd.msk.f32 $0xffff, v15, v55  }
0x158: {  	v14 =	vsel vm1, v37, v30;
	vm1 =	vge.f32 v34, v35;
	v41, v52, _ =	vpop (xrf1);
	(xrf1) =	vsort.ascd.msk.f32 $0xffff, v12, v61  }
0x159: {  	v58 =	vmul.f32 v38, v4;
	v30 =	vsel vm1, v31, v14;
	v16, v15, _ =	vpop (xrf1);
	(xrf1) =	vsort.dscd.msk.f32 $0xffff, v63, v22  }
0x15a: {  	v59 =	vmul.f32 v20, v5;
	v22 =	vmul.f32 v56, v0;
	v37, v12, _ =	vpop (xrf1);
	(xrf1) =	vsort.ascd.msk.f32 $0xffff, v57, v21  }
0x15b: {  	v60 =	vmul.f32 v44, v6;
	v61 =	vmul.f32 v45, v7;
	v47, v13, _ =	vpop (xrf1);
	(xrf1) =	vsort.dscd.msk.f32 $0xffff, v58, v38  }
0x15c: {  	v21 =	vsel vm1, v14, v31;
	vm1 =	vge.f32 v19, v36;
	v38, v14, _ =	vpop (xrf1);
	(xrf1) =	vsort.dscd.msk.f32 $0xffff, v22, v56  }
0x15d: {  	v36 =	vmax.f32 v19, v36;
	v17 =	vsel vm1, v17, v40;
	v63, v62, _ =	vpop (xrf1);
	(xrf1) =	vsort.ascd.msk.f32 $0xffff, v59, v20  }
0x15e: {  	v31 =	vmax.f32 v34, v35;
	vm1 =	vge.f32 v24, v36;
	v55, v54, _ =	vpop (xrf1);
	(xrf1) =	vsort.dscd.msk.f32 $0xffff, v60, v44  }
0x15f: {  	v34 =	vmin.f32 v34, v35;
	v22 =	vsel vm1, v39, v17;
	v57, v56, _ =	vpop (xrf1);
	(xrf1) =	vsort.ascd.msk.f32 $0xffff, v61, v45  }
0x160: {  	v20 =	vsel vm1, v17, v39;
	v17, v39, _ =	vpop (xrf1);
	(xrf1) =	vsort.ascd.msk.f32 $0xffff, v34, v21;
	v21 =	vmax.f32 v63, v55  }
0x161: {  	v33 =	vpop (erf);
	vm1 =	vge.f32 v63, v55  }
0x162: {  	v19 =	vsel vm0, v29, v43;
	v29 =	vsel vm1, v62, v54;
	v58, v43, _ =	vpop (xrf1)  }
0x163: {  	v59 =	vadd.f32 $1.000000000e+00, v48;
	v35 =	vmin.f32 v63, v55;
	v60 =	vmax.f32 v57, v17;
	(xrf1) =	vsort.dscd.msk.f32 $0xffff, v21, v29;
	v21, v34, _ =	vpop (xrf1)  }
0x164: {  	v61 =	vmin.f32 v57, v17;
	v29 =	vsel vm1, v54, v62;
	vm0 =	vge.f32 v57, v17;
	v17, v40, _ =	vpop (xrf1)  }
0x165: {  	(erf) = vrcp.f32 v59;
	v62 =	vsel vm0, v39, v56;
	(xrf1) =	vsort.dscd.msk.f32 $0xffff, v35, v29;
	v21 =	vmul.f32 v21, v8;
	v50, v53, _ =	vpop (xrf1)  }
0x166: {  	v29 =	vsel vm0, v56, v39;
	v63 =	vmax.f32 v58, v17;
	vm0 =	vge.f32 v58, v17;
	v55, v56, _ =	vpop (xrf1)  }
0x167: {  	(xrf1) =	vsort.ascd.msk.f32 $0xffff, v61, v62;
	v17 =	vmin.f32 v58, v17;
	v21 =	vmin.f32 v21, $4.000000000e+01;
	v57 =	vsel vm0, v43, v40;
	v59, v58, _ =	vpop (xrf1)  }
0x168: {  	v32 =	vpop (erf);
	(xrf1) =	vsort.ascd.msk.f32 $0xffff, v60, v29;
	v29 =	vsel vm0, v40, v43;
	v21 =	vmul.f32 $1.442695020e+00, v21;
	vm0 =	vge.f32 v55, v59  }
0x169: {  	(xrf1) =	vsort.dscd.msk.f32 $0xffff, v63, v57;
	v40, v43, _ =	vpop (xrf1);
	v60 =	vmin.f32 v55, v59;
	v61 =	vsel vm0, v58, v56  }
0x16a: {  	v49, v62, _ =	vpop (xrf1);
	(xrf1) =	vsort.dscd.msk.f32 $0xffff, v17, v29;
	(erf) = vpow2.f32 v21;
	v17 =	vmax.f32 v55, v59  }
0x16b: {  	v21 =	vsel vm0, v56, v58;
	v29, v63, _ =	vpop (xrf1);
	(xrf1) =	vsort.ascd.msk.f32 $0xffff, v60, v61;
	vm0 =	vge.f32 v40, v49  }
0x16c: {  	v39 =	vadd.f32 $1.000000000e+00, v33;
	v42 =	vmax.f32 v40, v49;
	v40 =	vmin.f32 v40, v49;
	v60, v59, _ =	vpop (xrf1);
	(xrf1) =	vsort.ascd.msk.f32 $0xffff, v17, v21  }
0x16d: {  	v46 =	vsel vm0, v43, v62;
	v21 =	vsel vm0, v62, v43;
	vm1 =	vge.f32 v60, v50;
	v17, v61, _ =	vpop (xrf1)  }
0x16e: {  	v55 =	vmax.f32 v60, v50;
	v51 =	vsel vm1, v59, v53;
	v45 =	vsel vm1, v53, v59;
	v53, v62, _ =	vpop (xrf1)  }
0x16f: {  	v44 =	vmin.f32 v60, v50;
	vm0 =	vge.f32 v29, v17;
	v60 =	vmin.f32 v29, v17;
	v43, v57, _ =	vpop (xrf1)  }
0x170: {  	v58 =	vpop (erf);
	v56 =	vsel vm0, v63, v61;
	v35 =	vsel vm0, v61, v63;
	vm0 =	vge.f32 v53, v43  }
0x171: {  	v49, v50, _ =	vpop (xrf1);
	v61 =	vmax.f32 v53, v43;
	v43 =	vmin.f32 v53, v43;
	(xrf1) =	vsort.dscd.msk.f32 $0xffff, v55, v51  }
0x172: {  	v59 =	vsel vm0, v62, v57;
	v54 =	vsel vm0, v57, v62;
	v57 =	vmax.f32 v29, v17;
	v53, v62, _ =	vpop (xrf1)  }
0x173: {  	v29 =	vadd.f32 $1.000000000e+00, v32;
	vm0 =	vge.f32 v41, v49;
	v17 =	vmax.f32 v41, v49;
	(xrf1) =	vsort.dscd.msk.f32 $0xffff, v44, v45;
	v41 =	vpop (erf)  }
0x174: {  	v25 =	vmax.f32 v25, v27;
	(erf) = vrcp.f32 v39;
	v39, v44, _ =	vpop (xrf1);
	(xrf1) =	vsort.ascd.msk.f32 $0xffff, v40, v21;
	v63 =	vadd.f32 $1.000000000e+00, v41  }
0x175: {  	v27 =	vmin.f32 v24, v36;
	v21 =	vsel vm0, v52, v50;
	v52, v49, _ =	vpop (xrf1);
	(erf) = vrcp.f32 v29;
	(xrf1) =	vsort.ascd.msk.f32 $0xffff, v42, v46  }
0x176: {  	v37 =	vmul.f32 v37, v8;
	v48 =	vadd.f32 $-1.000000000e+00, v48;
	(erf) = vrcp.f32 v63  }
0x177: {  	s20 =	sadd.s32 $0xC900, s30;
	v47 =	vmul.f32 v47, v8;
	v38 =	vmul.f32 v38, v8;
	(xrf1) =	vsort.dscd.msk.f32 $0xffff, v57, v56  }
0x178: {  	s19 =	sadd.s32 $0x100, s20;
	v29 =	vmax.f32 v24, v36;
	v24 =	vmul.f32 v58, v48;
	v55, v42, _ =	vpop (xrf1);
	vm0 =	vge.f32 v53, v52  }
0x179: {  	[tilespmem:s20+$0x10] =	vst v18;
	s18 =	sadd.s32 $0x100, s19;
	v40 =	vmax.f32 v53, v52;
	v57, v46, _ =	vpop (xrf1);
	(xrf1) =	vsort.dscd.msk.f32 $0xffff, v60, v35;
	v18 =	vmax.f32 v39, v55  }
0x17a: {  	[tilespmem:s18+$0x10] =	vst v26;
	vm1 =	vge.f32 v39, v55;
	v26 =	vsel vm0, v62, v49;
	v58 =	vmin.f32 v40, v18;
	v60, v50, _ =	vpop (xrf1)  }
0x17b: {  	v41 =	vadd.f32 $-1.000000000e+00, v41;
	v42 =	vsel vm1, v44, v42;
	vm0 =	vge.f32 v40, v18;
	(xrf1) =	vsort.ascd.msk.f32 $0xffff, v43, v54;
	v63, v51, _ =	vpop (xrf1)  }
0x17c: {  	vm2 =	vge.f32 v57, v63;
	v53 =	vmax.f32 v57, v63;
	v55, v56, _ =	vpop (xrf1);
	v57 =	vmax.f32 v40, v18  }
0x17d: {  	[tilespmem:s20+$0x0] =	vst v28;
	v28 =	vpop (erf);
	v18 =	vsel vm0, v26, v42;
	v26 =	vsel vm0, v42, v26;
	vm3 =	vge.f32 v60, v55  }
0x17e: {  	[tilespmem:s19+$0x10] =	vst v23;
	v35 =	vmax.f32 v60, v55;
	v62 =	vsel vm2, v46, v51;
	v63 =	vsel vm3, v50, v56;
	v23 =	vpop (erf)  }
0x17f: {  	v46 =	vadd.f32 $-1.000000000e+00, v33;
	(xrf1) =	vsort.dscd.msk.f32 $0xffff, v57, v18;
	v60 =	vmin.f32 v53, v35;
	vm0 =	vge.f32 v53, v35;
	v48 =	vpop (erf)  }
0x180: {  	v51 =	vmin.f32 v37, $4.000000000e+01;
	(xrf1) =	vsort.dscd.msk.f32 $0xffff, v58, v26;
	v52 =	vmax.f32 v53, v35;
	v50 =	vsel vm0, v63, v62;
	v55, v54, _ =	vpop (xrf1)  }
0x181: {  	v56 =	vmin.f32 v47, $4.000000000e+01;
	v53 =	vsel vm0, v62, v63;
	(xrf1) =	vsort.ascd.msk.f32 $0xffff, v60, v50;
	v26 =	vmul.f32 v48, v41;
	v57, v36, _ =	vpop (xrf1)  }
0x182: {  	v18 =	vadd.f32 $-1.000000000e+00, v32;
	v35 =	vmul.f32 $1.442695020e+00, v51;
	v33 =	vmul.f32 $1.442695020e+00, v56;
	(xrf1) =	vsort.ascd.msk.f32 $0xffff, v52, v53;
	v62, v63, _ =	vpop (xrf1)  }
0x183: {  	v60 =	vmin.f32 v38, $4.000000000e+01;
	(xrf1) =	vsort.ascd.msk.f32 $0xffff, v61, v59;
	v58 =	vmul.f32 v26, v34;
	v26 =	vmul.f32 v28, v46;
	v28, v37, _ =	vpop (xrf1)  }
0x184: {  	s31 =	sshll.u32 s17, $0x5;
	s17 =	sadd.s32 $0x100, s18;
	v32 =	vmul.f32 $1.442695020e+00, v60;
	vm0 =	vge.f32 v55, v62;
	v34 =	vmax.f32 v55, v62;
	(xrf1) =	vsort.ascd.msk.f32 $0xffff, v31, v30  }
0x185: {  	s22 =	simm.s32 $0x8;
	s21 =	sor.u32 s5, s31;
	s23 =	sadd.s32 $0x100, s23;
	v31 =	vsel vm0, v54, v63;
	vm0 =	vge.f32 v57, v28;
	v38 =	vmax.f32 v57, v28;
	[tilespmem:s17+$0x10] =	vst v58;
	v30, v28, _ =	vpop (xrf1)  }
.LBB2_3:
0x186: {  	v39 =	vld [tilespmem:s23+$0x0]  }
0x187: {  	v36 =	vsel vm0, v36, v37;
	vm0 =	vge.f32 v34, v38;
	v37 =	vmax.f32 v34, v38;
	v40, v41, _ =	vpop (xrf1)  }
0x188: {  	v34 =	vmin.f32 v34, v38;
	v42 =	vld [tilespmem:s23+$0x10];
	v43 =	vsel vm0, v31, v36;
	v31 =	vsel vm0, v36, v31  }
0x189: {  	v18 =	vmul.f32 v23, v18;
	v23 =	vmul.f32 v24, v9;
	v9 =	vmovc v12;
	v36 =	vld [tilespmem:s23+$0x20];
	(xrf1) =	vsort.dscd.msk.f32 $0xffff, v37, v43  }
0x18a: {  	v12 =	vld [tilespmem:s23+$0x30];
	(xrf1) =	vsort.dscd.msk.f32 $0xffff, v34, v31;
	v31 =	vmul.f32 v26, v10;
	v10 =	vmov v13  }
0x18b: {  	(xrf1) =	vsort.dscd.msk.f32 $0xffff, v29, v22;
	v22 =	vmul.f32 v39, v0  }
0x18c: {  	v18 =	vmul.f32 v18, v11;
	v11 =	vmov v14;
	v13 =	vld [tilespmem:s23+$0x40];
	(erf) = vpow2.f32 v35;
	[tilespmem:s20+$0xFFFFFF80] =	vst v23  }
0x18d: {  	v14 =	vld [tilespmem:s23+$0x50];
	(xrf1) =	vsort.dscd.msk.f32 $0xffff, v27, v20;
	(erf) = vpow2.f32 v33;
	[tilespmem:s20+$0xFFFFFF90] =	vst v31;
	s20 =	smov.u32 s19;
	s19 =	smov.u32 s18;
	s18 =	smov.u32 s17  }
0x18e: {  	v20 =	vld [tilespmem:s23+$0xFFFFFF90];
	v33 =	vmul.f32 v42, v1;
	v24, v26, _ =	vpop (xrf1);
	(xrf1) =	vsort.dscd.msk.f32 $0xffff, v25, v19;
	(erf) = vpow2.f32 v32;
	[tilespmem:s20+$0x0] =	vst v18  }
0x18f: {  	v18 =	vld [tilespmem:s23+$0xFFFFFFA0];
	v19 =	vmul.f32 v36, v2;
	(xrf1) =	vsort.dscd.msk.f32 $0xffff, v22, v39;
	vm0 =	vge.f32 v30, v24;
	v22, v25, _ =	vpop (xrf1)  }
0x190: {  	v37 =	vmax.f32 v30, v24;
	v34 =	vmul.f32 v12, v3;
	v32 =	vld [tilespmem:s23+$0xFFFFFFB0];
	(xrf1) =	vsort.ascd.msk.f32 $0xffff, v33, v42;
	v24, v29, _ =	vpop (xrf1)  }
0x191: {  	v31 =	vmul.f32 v13, v4;
	v30 =	vld [tilespmem:s23+$0xFFFFFFC0];
	(xrf1) =	vsort.dscd.msk.f32 $0xffff, v19, v36;
	v19 =	vsel vm0, v28, v26;
	v23, v26, _ =	vpop (xrf1)  }
0x192: {  	v33 =	vmul.f32 v14, v5;
	v28 =	vld [tilespmem:s23+$0x60];
	(xrf1) =	vsort.ascd.msk.f32 $0xffff, v34, v12;
	vm0 =	vge.f32 v22, v23;
	v12, v27, _ =	vpop (xrf1)  }
0x193: {  	v23 =	vmax.f32 v22, v23;
	v34 =	vld [tilespmem:s23+$0x70];
	vm1 =	vge.f32 v24, v12;
	v24 =	vmax.f32 v24, v12;
	v12, v22, _ =	vpop (xrf1)  }
0x194: {  	v39 =	vsel vm0, v25, v26;
	v38 =	vld [tilespmem:s23+$0xFFFFFFD0];
	v42 =	vsel vm1, v29, v27;
	vm0 =	vge.f32 v23, v24;
	v43, v44, _ =	vpop (xrf1)  }
0x195: {  	v45 =	vld [tilespmem:s23+$0xFFFFFFE0];
	(xrf1) =	vsort.dscd.msk.f32 $0xffff, v31, v13;
	v13 =	vmin.f32 v23, v24;
	v25 =	vsel vm0, v42, v39;
	v26 =	vpop (erf)  }
0x196: {  	v53 =	vmul.f32 v20, v1;
	v35 =	vmul.f32 v18, v2;
	v46 =	vld [tilespmem:s23+$0xFFFFFFF0];
	(xrf1) =	vsort.dscd.msk.f32 $0xffff, v13, v25;
	v13 =	vadd.f32 $1.000000000e+00, v26;
	v36 =	vpop (erf)  }
0x197: {  	v48 =	vmul.f32 v32, v3;
	v47 =	vld [tilespmem:s23+$0xFFFFFF80];
	v31 =	vmul.f32 v28, v6;
	(xrf1) =	vsort.ascd.msk.f32 $0xffff, v33, v14;
	v49 =	vpop (erf);
	v25 =	vadd.f32 $1.000000000e+00, v36  }
0x198: {  	s22 =	sadd.s32 $0x2, s22;
	v50 =	vmul.f32 v30, v4;
	v55 =	vmul.f32 v34, v7;
	(xrf1) =	vsort.ascd.msk.f32 $0xffff, v53, v20;
	v29, v27, _ =	vpop (xrf1);
	v33 =	vadd.f32 $1.000000000e+00, v49  }
0x199: {  	p1 =	slt.u32 s22, $0xC6;
	vm1 =	vge.f32 v40, v12;
	v20 =	vmul.f32 v38, v5;
	(xrf1) =	vsort.dscd.msk.f32 $0xffff, v31, v28;
	v51, v52, _ =	vpop (xrf1);
	(erf) = vrcp.f32 v13  }
0x19a: {  	v40 =	vmax.f32 v40, v12;
	v31 =	vadd.f32 $-1.000000000e+00, v26;
	v53 =	vmul.f32 v45, v6;
	(xrf1) =	vsort.ascd.msk.f32 $0xffff, v55, v34;
	v34, v12, _ =	vpop (xrf1)  }
0x19b: {  	v22 =	vsel vm1, v41, v22;
	v26 =	vadd.f32 $-1.000000000e+00, v36;
	v54 =	vmul.f32 v46, v7;
	(xrf1) =	vsort.dscd.msk.f32 $0xffff, v35, v18;
	v35, v13, _ =	vpop (xrf1)  }
0x19c: {  	vm1 =	vge.f32 v37, v40;
	v18 =	vadd.f32 $-1.000000000e+00, v49;
	v55 =	vmul.f32 v47, v0;
	(xrf1) =	vsort.ascd.msk.f32 $0xffff, v48, v32;
	v36, v14, _ =	vpop (xrf1)  }
0x19d: {  	v28 =	vsel vm1, v19, v22;
	v49 =	vsel vm1, v22, v19;
	(xrf1) =	vsort.dscd.msk.f32 $0xffff, v50, v30;
	v32, v48, _ =	vpop (xrf1)  }
0x19e: {  	v30 =	vmax.f32 v37, v40;
	v37 =	vmin.f32 v37, v40;
	(xrf1) =	vsort.dscd.msk.f32 $0xffff, v55, v47;
	v41, v47, _ =	vpop (xrf1)  }
0x19f: {  	vm1 =	vge.f32 v16, v43;
	v43 =	vmax.f32 v16, v43;
	v16 =	vmov v51;
	(xrf1) =	vsort.ascd.msk.f32 $0xffff, v20, v38;
	v38, v40, _ =	vpop (xrf1)  }
0x1a0: {  	v19 =	vsel vm1, v15, v44;
	vm1 =	vge.f32 v17, v43;
	v15 =	vmov v52;
	(xrf1) =	vsort.dscd.msk.f32 $0xffff, v53, v45;
	v45, v50, _ =	vpop (xrf1)  }
0x1a1: {  	v22 =	vsel vm1, v21, v19;
	v20 =	vsel vm1, v19, v21;
	(xrf1) =	vsort.ascd.msk.f32 $0xffff, v54, v46  }
0x1a2: {  	vm1 =	vge.f32 v32, v41;
	v19 =	vsel vm0, v39, v42;
	(xrf1) =	vsort.ascd.msk.f32 $0xffff, v37, v49;
	v37 =	vpop (erf)  }
0x1a3: {  	v51 =	vmax.f32 v32, v41;
	v41 =	vmin.f32 v32, v41;
	v39 =	vsel vm1, v48, v47;
	v42, v44, _ =	vpop (xrf1)  }
0x1a4: {  	v46 =	vmax.f32 v38, v45;
	v49 =	vmin.f32 v38, v45;
	(xrf1) =	vsort.dscd.msk.f32 $0xffff, v51, v39;
	v21, v32, _ =	vpop (xrf1)  }
0x1a5: {  	vm0 =	vge.f32 v38, v45;
	v39 =	vsel vm1, v47, v48;
	v38, v45, _ =	vpop (xrf1);
	v21 =	vmul.f32 v21, v8  }
0x1a6: {  	v47 =	vsel vm0, v50, v40;
	v48 =	vmax.f32 v42, v38;
	v51, v52, _ =	vpop (xrf1);
	(xrf1) =	vsort.dscd.msk.f32 $0xffff, v41, v39  }
0x1a7: {  	v39 =	vsel vm0, v40, v50;
	vm0 =	vge.f32 v42, v38;
	v40, v41, _ =	vpop (xrf1);
	(xrf1) =	vsort.ascd.msk.f32 $0xffff, v49, v47;
	v21 =	vmin.f32 v21, $4.000000000e+01  }
0x1a8: {  	v38 =	vmin.f32 v42, v38;
	v47 =	vsel vm0, v44, v45;
	v42, v49, _ =	vpop (xrf1);
	(xrf1) =	vsort.ascd.msk.f32 $0xffff, v46, v39;
	v21 =	vmul.f32 $1.442695020e+00, v21  }
0x1a9: {  	v53 =	vsel vm0, v45, v44;
	vm0 =	vge.f32 v40, v42;
	v44, v45, _ =	vpop (xrf1);
	(xrf1) =	vsort.dscd.msk.f32 $0xffff, v48, v47  }
0x1aa: {  	v54 =	vmin.f32 v40, v42;
	v55 =	vsel vm0, v49, v41;
	v48, v50, _ =	vpop (xrf1);
	(xrf1) =	vsort.dscd.msk.f32 $0xffff, v38, v53;
	(erf) = vpow2.f32 v21  }
0x1ab: {  	v53 =	vmax.f32 v40, v42;
	v38 =	vsel vm0, v41, v49;
	v39, v40, _ =	vpop (xrf1);
	(xrf1) =	vsort.ascd.msk.f32 $0xffff, v54, v55  }
0x1ac: {  	vm0 =	vge.f32 v44, v48;
	v41 =	vmax.f32 v44, v48;
	v42, v46, _ =	vpop (xrf1);
	(xrf1) =	vsort.ascd.msk.f32 $0xffff, v53, v38  }
0x1ad: {  	v38 =	vsel vm0, v45, v50;
	v45 =	vsel vm0, v50, v45;
	vm1 =	vge.f32 v42, v51;
	v21, v47, _ =	vpop (xrf1)  }
0x1ae: {  	v49 =	vsel vm1, v46, v52;
	v46 =	vsel vm1, v52, v46;
	vm0 =	vge.f32 v39, v21;
	v50, v52, _ =	vpop (xrf1)  }
0x1af: {  	v53 =	vmax.f32 v42, v51;
	v54 =	vsel vm0, v40, v47;
	v40 =	vsel vm0, v47, v40;
	v47, v55, _ =	vpop (xrf1)  }
0x1b0: {  	v44 =	vmin.f32 v44, v48;
	v42 =	vmin.f32 v42, v51;
	vm0 =	vge.f32 v50, v47;
	v48, v51, _ =	vpop (xrf1)  }
0x1b1: {  	v56 =	vmax.f32 v39, v21;
	v57 =	vsel vm0, v52, v55;
	v52 =	vsel vm0, v55, v52  }
0x1b2: {  	v39 =	vmin.f32 v39, v21;
	v55 =	vmax.f32 v50, v47;
	v47 =	vmin.f32 v50, v47;
	v50, v58, _ =	vpop (xrf1)  }
0x1b3: {  	vm0 =	vge.f32 v29, v48;
	v48 =	vmax.f32 v29, v48;
	(xrf1) =	vsort.dscd.msk.f32 $0xffff, v53, v49;
	v49 =	vpop (erf);
	(erf) = vrcp.f32 v25  }
0x1b4: {  	v29 =	vmax.f32 v17, v43;
	v21 =	vsel vm0, v27, v51;
	(xrf1) =	vsort.dscd.msk.f32 $0xffff, v42, v46;
	v42, v46, _ =	vpop (xrf1);
	v51 =	vadd.f32 $1.000000000e+00, v49  }
0x1b5: {  	v27 =	vmin.f32 v17, v43;
	v25 =	vmax.f32 v23, v24;
	(xrf1) =	vsort.ascd.msk.f32 $0xffff, v44, v45;
	v44, v45, _ =	vpop (xrf1);
	(erf) = vrcp.f32 v33  }
0x1b6: {  	v17 =	vmov v48;
	v24 =	vmul.f32 v34, v8;
	(xrf1) =	vsort.ascd.msk.f32 $0xffff, v41, v38;
	v23, v33, _ =	vpop (xrf1);
	(erf) = vrcp.f32 v51  }
0x1b7: {  	v35 =	vmul.f32 v35, v8;
	v36 =	vmul.f32 v36, v8;
	(xrf1) =	vsort.dscd.msk.f32 $0xffff, v56, v54;
	v34, v38, _ =	vpop (xrf1)  }
0x1b8: {  	v41 =	vmin.f32 v24, $4.000000000e+01;
	v24 =	vmul.f32 v37, v31;
	vm0 =	vge.f32 v50, v44;
	(xrf1) =	vsort.dscd.msk.f32 $0xffff, v39, v40;
	v39, v40, _ =	vpop (xrf1)  }
0x1b9: {  	v31 =	vmax.f32 v50, v44;
	vm1 =	vge.f32 v42, v23;
	v23 =	vmax.f32 v42, v23;
	v37, v43, _ =	vpop (xrf1)  }
0x1ba: {  	v44 =	vmax.f32 v31, v23;
	vm2 =	vge.f32 v34, v37;
	v34 =	vmax.f32 v34, v37;
	v37, v42, _ =	vpop (xrf1)  }
0x1bb: {  	v33 =	vsel vm1, v46, v33;
	vm3 =	vge.f32 v39, v37;
	v37 =	vmax.f32 v39, v37  }
0x1bc: {  	v39 =	vsel vm0, v58, v45;
	v45 =	vmin.f32 v31, v23;
	v48 =	vmin.f32 v34, v37;
	v50 =	vpop (erf)  }
0x1bd: {  	vm0 =	vge.f32 v31, v23;
	v31 =	vsel vm2, v38, v43;
	v40 =	vsel vm3, v40, v42  }
0x1be: {  	v43 =	vsel vm0, v39, v33;
	v42 =	vadd.f32 $-1.000000000e+00, v49;
	(xrf1) =	vsort.ascd.msk.f32 $0xffff, v47, v52;
	v23 =	vpop (erf)  }
0x1bf: {  	v33 =	vsel vm0, v33, v39;
	vm0 =	vge.f32 v34, v37;
	v39 =	vmin.f32 v35, $4.000000000e+01;
	(xrf1) =	vsort.dscd.msk.f32 $0xffff, v44, v43;
	v38 =	vpop (erf)  }
0x1c0: {  	v35 =	vsel vm0, v40, v31;
	(xrf1) =	vsort.dscd.msk.f32 $0xffff, v45, v33;
	v33 =	vmul.f32 v38, v42;
	v38 =	vmin.f32 v36, $4.000000000e+01  }
.Ltmp0:
0x1c1: {  	v31 =	vsel vm0, v31, v40;
	v42 =	vmax.f32 v34, v37;
	v37, v40, _ =	vpop (xrf1);
	(xrf1) =	vsort.ascd.msk.f32 $0xffff, v48, v35;
	v35 =	vmul.f32 $1.442695020e+00, v41;
	(pc) =	sbr.rel @p1 .LBB2_3-.Ltmp0, $4  }
0x1c2: {  	v41, v36, _ =	vpop (xrf1);
	(xrf1) =	vsort.ascd.msk.f32 $0xffff, v42, v31;
	v31 =	vmul.f32 v33, v32;
	v33 =	vmul.f32 $1.442695020e+00, v39  }
0x1c3: {  	s17 =	sadd.s32 $0x100, s17;
	v26 =	vmul.f32 v50, v26;
	v32 =	vmul.f32 $1.442695020e+00, v38;
	v34, v39, _ =	vpop (xrf1);
	(xrf1) =	vsort.ascd.msk.f32 $0xffff, v55, v57  }
0x1c4: {  	vm0 =	vge.f32 v37, v34;
	v34 =	vmax.f32 v37, v34;
	v38, v37, _ =	vpop (xrf1);
	[tilespmem:s17+$0x10] =	vst v31;
	(xrf1) =	vsort.ascd.msk.f32 $0xffff, v30, v28  }
0x1c5: {  	s23 =	sadd.s32 $0x100, s23;
	v31 =	vsel vm0, v40, v39;
	vm0 =	vge.f32 v41, v38;
	v38 =	vmax.f32 v41, v38;
	v30, v28, _ =	vpop (xrf1)  }
0x1c6: {  	_ =	sdelay $0x4  }
0x1c7: {  	v36 =	vsel vm0, v36, v37;
	vm6 =	vge.f32 v34, v38;
	v37, v39, _ =	vpop (xrf1)  }
0x1c8: {  	v40 =	vmax.f32 v34, v38;
	v41 =	vsel vm6, v31, v36;
	v42, v43, _ =	vpop (xrf1)  }
0x1c9: {  	v56 =	vmin.f32 v34, v38;
	v57 =	vsel vm6, v36, v31;
	(xrf1) =	vsort.dscd.msk.f32 $0xffff, v40, v41;
	v59, v58, _ =	vpop (xrf1)  }
0x1ca: {  	(xrf1) =	vsort.dscd.msk.f32 $0xffff, v56, v57;
	v31, v34, _ =	vpop (xrf1)  }
0x1cb: {  	(xrf1) =	vsort.dscd.msk.f32 $0xffff, v29, v22;
	v22, v29, _ =	vpop (xrf1)  }
0x1cc: {  	(xrf1) =	vsort.dscd.msk.f32 $0xffff, v27, v20;
	vm7 =	vge.f32 v59, v22;
	v20, v27, _ =	vpop (xrf1)  }
0x1cd: {  	v36 =	vmax.f32 v59, v22;
	vm1 =	vge.f32 v31, v20;
	v31 =	vmax.f32 v31, v20  }
0x1ce: {  	v29 =	vsel vm7, v58, v29;
	v34 =	vsel vm1, v34, v27;
	vm8 =	vge.f32 v36, v31  }
0x1cf: {  	(xrf1) =	vsort.dscd.msk.f32 $0xffff, v25, v19;
	v60 =	vmin.f32 v36, v31;
	v61 =	vsel vm8, v34, v29  }
0x1d0: {  	(xrf1) =	vsort.dscd.msk.f32 $0xffff, v60, v61;
	_ =	sdelay $0x5  }
0x1d1: {  	(erf) = vpow2.f32 v35  }
0x1d2: {  	v63, v62, _ =	vpop (xrf1)  }
0x1d3: {  	v40, v41, _ =	vpop (xrf1)  }
0x1d4: {  	v44, v45, _ =	vpop (xrf1)  }
0x1d5: {  	v46, v47, _ =	vpop (xrf1)  }
0x1d6: {  	v48, v22, _ =	vpop (xrf1)  }
0x1d7: {  	v49, v20, _ =	vpop (xrf1)  }
0x1d8: {  	(erf) = vpow2.f32 v33;
	vm9 =	vge.f32 v30, v42;
	v50, v19, _ =	vpop (xrf1)  }
0x1d9: {  	(erf) = vpow2.f32 v32;
	v56 =	vmax.f32 v30, v42;
	v28 =	vsel vm9, v28, v43;
	v53, v25, _ =	vpop (xrf1)  }
0x1da: {  	v27 =	vpop (erf);
	vm2 =	vge.f32 v37, v63;
	v57 =	vmax.f32 v37, v63;
	v51 =	vmul.f32 v53, v8  }
0x1db: {  	v54 =	vadd.f32 $1.000000000e+00, v27;
	v58 =	vsel vm2, v39, v62;
	vm10 =	vge.f32 v56, v57  }
0x1dc: {  	v37 =	vmin.f32 v56, v57;
	vm11 =	vge.f32 v16, v40;
	v51 =	vmin.f32 v51, $4.000000000e+01  }
0x1dd: {  	v30 =	vmax.f32 v56, v57;
	v59 =	vsel vm10, v58, v28;
	v55 =	vmul.f32 $1.442695020e+00, v51  }
0x1de: {  	v28 =	vsel vm10, v28, v58;
	v61 =	vmax.f32 v16, v40;
	(erf) = vrcp.f32 v54;
	(xrf1) =	vsort.ascd.msk.f32 $0xffff, v37, v59  }
0x1df: {  	v15 =	vsel vm11, v15, v41;
	vm12 =	vge.f32 v17, v61;
	(xrf1) =	vsort.ascd.msk.f32 $0xffff, v30, v28;
	(erf) = vpow2.f32 v55  }
0x1e0: {  	v42 =	vmax.f32 v17, v61;
	v63 =	vsel vm12, v21, v15  }
0x1e1: {  	v16 =	vmin.f32 v17, v61;
	v15 =	vsel vm12, v15, v21;
	(xrf1) =	vsort.dscd.msk.f32 $0xffff, v42, v63  }
0x1e2: {  	v52 =	vsel vm8, v29, v34;
	(xrf1) =	vsort.dscd.msk.f32 $0xffff, v16, v15;
	v53 =	vmax.f32 v36, v31  }
0x1e3: {  	(xrf1) =	vsort.dscd.msk.f32 $0xffff, v53, v52;
	_ =	sdelay $0x1  }
0x1e4: {  	v35 =	vpop (erf)  }
0x1e5: {  	v33 =	vpop (erf)  }
0x1e6: {  	v60 =	vadd.f32 $1.000000000e+00, v35;
	v41 =	vmul.f32 v48, v8;
	v32 =	vpop (erf)  }
0x1e7: {  	v62 =	vadd.f32 $1.000000000e+00, v33;
	v43 =	vmul.f32 v49, v8;
	v48 =	vmul.f32 v50, v8;
	v21 =	vpop (erf)  }
0x1e8: {  	v30 =	vmin.f32 v41, $4.000000000e+01;
	(erf) = vrcp.f32 v60;
	v40 =	vadd.f32 $1.000000000e+00, v21  }
0x1e9: {  	v17 =	vmin.f32 v43, $4.000000000e+01;
	v49 =	vmul.f32 $1.442695020e+00, v30;
	(erf) = vrcp.f32 v62  }
0x1ea: {  	v50 =	vmin.f32 v48, $4.000000000e+01;
	v17 =	vmul.f32 $1.442695020e+00, v17;
	(erf) = vrcp.f32 v40  }
0x1eb: {  	v51 =	vmul.f32 $1.442695020e+00, v50;
	v55, v54, _ =	vpop (xrf1);
	(erf) = vpow2.f32 v49  }
0x1ec: {  	v56, v57, _ =	vpop (xrf1);
	vm13 =	vge.f32 v44, v55;
	v15 =	vmax.f32 v44, v55;
	(erf) = vpow2.f32 v17  }
0x1ed: {  	vm14 =	vge.f32 v46, v56;
	v30 =	vmax.f32 v46, v56;
	(erf) = vpow2.f32 v51  }
0x1ee: {  	v16 =	vsel vm13, v45, v54;
	v61, v42, _ =	vpop (xrf1);
	v31 =	vsel vm14, v47, v57;
	vm15 =	vge.f32 v15, v30  }
0x1ef: {  	v62, v43, _ =	vpop (xrf1);
	v47 =	vmax.f32 v15, v30;
	v63 =	vsel vm15, v16, v31  }
0x1f0: {  	v15 =	vmin.f32 v15, v30;
	v16 =	vsel vm15, v31, v16;
	(xrf1) =	vsort.dscd.msk.f32 $0xffff, v47, v63;
	v49, v39, _ =	vpop (xrf1)  }
0x1f1: {  	(xrf1) =	vsort.dscd.msk.f32 $0xffff, v15, v16;
	v17 =	vpop (erf)  }
0x1f2: {  	v28 =	vpop (erf)  }
0x1f3: {  	v29 =	vpop (erf)  }
0x1f4: {  	v41 =	vmul.f32 v61, v8;
	v34 =	vpop (erf)  }
0x1f5: {  	v58 =	vadd.f32 $1.000000000e+00, v34;
	v37 =	vpop (erf)  }
0x1f6: {  	v36 =	vmul.f32 v62, v8;
	v48 =	vmin.f32 v41, $4.000000000e+01;
	v38 =	vpop (erf);
	v59 =	vadd.f32 $1.000000000e+00, v37  }
0x1f7: {  	v50 =	vmul.f32 v49, v8;
	v60 =	vadd.f32 $1.000000000e+00, v38;
	(erf) = vrcp.f32 v58  }
0x1f8: {  	v36 =	vmin.f32 v36, $4.000000000e+01;
	v30 =	vmul.f32 $1.442695020e+00, v48;
	(erf) = vrcp.f32 v59  }
0x1f9: {  	v51 =	vmul.f32 $1.442695020e+00, v36;
	v15 =	vmin.f32 v50, $4.000000000e+01;
	(erf) = vrcp.f32 v60  }
0x1fa: {  	v15 =	vmul.f32 $1.442695020e+00, v15;
	(erf) = vpow2.f32 v30  }
0x1fb: {  	(erf) = vpow2.f32 v51  }
0x1fc: {  	(erf) = vpow2.f32 v15;
	_ =	sdelay $0x1  }
0x1fd: {  	v52, v41, _ =	vpop (xrf1)  }
0x1fe: {  	v54, v46, _ =	vpop (xrf1)  }
0x1ff: {  	v15 =	vpop (erf)  }
0x200: {  	v16 =	vpop (erf)  }
0x201: {  	v30 =	vpop (erf)  }
0x202: {  	v31 =	vpop (erf)  }
0x203: {  	v40 =	vmul.f32 v52, v8;
	v36 =	vpop (erf);
	v53 =	vadd.f32 $1.000000000e+00, v31  }
0x204: {  	v45 =	vmul.f32 v54, v8;
	v47 =	vpop (erf);
	v55 =	vadd.f32 $1.000000000e+00, v36  }
0x205: {  	v40 =	vmin.f32 v40, $4.000000000e+01;
	(erf) = vrcp.f32 v53;
	v56 =	vadd.f32 $1.000000000e+00, v47  }
0x206: {  	v45 =	vmin.f32 v45, $4.000000000e+01;
	v40 =	vmul.f32 $1.442695020e+00, v40;
	(erf) = vrcp.f32 v55  }
0x207: {  	v57 =	vmul.f32 $1.442695020e+00, v45;
	(erf) = vrcp.f32 v56  }
0x208: {  	(erf) = vpow2.f32 v40  }
0x209: {  	(erf) = vpow2.f32 v57;
	_ =	sdelay $0x4  }
0x20a: {  	v58 =	vpop (erf)  }
0x20b: {  	v59 =	vpop (erf)  }
0x20c: {  	v18 =	vmul.f32 v23, v18;
	v21 =	vadd.f32 $-1.000000000e+00, v21;
	v60 =	vpop (erf)  }
0x20d: {  	v9 =	vmul.f32 v24, v9;
	v10 =	vmul.f32 v26, v10;
	v50 =	vadd.f32 $-1.000000000e+00, v35;
	v61 =	vpop (erf)  }
0x20e: {  	v11 =	vmul.f32 v18, v11;
	v21 =	vmul.f32 v29, v21;
	v62 =	vadd.f32 $1.000000000e+00, v61;
	v63 =	vpop (erf)  }
0x20f: {  	v48 =	vadd.f32 $-1.000000000e+00, v27;
	v17 =	vmul.f32 v17, v50;
	v49 =	vadd.f32 $1.000000000e+00, v63  }
0x210: {  	[tilespmem:s20+$0xFFFFFF90] =	vst v10;
	v10 =	vmul.f32 v21, v25;
	(erf) = vrcp.f32 v62  }
0x211: {  	s28 =	sadd.s32 $0x100, s17;
	[tilespmem:s20+$0xFFFFFF80] =	vst v9;
	v9 =	vmul.f32 v32, v48;
	v51 =	vadd.f32 $-1.000000000e+00, v33;
	(erf) = vrcp.f32 v49  }
0x212: {  	v54 =	vadd.f32 $-1.000000000e+00, v38;
	[tilespmem:s28+$0x10] =	vst v10;
	v10 =	vmul.f32 v17, v13  }
0x213: {  	[tilespmem:s19+$0x0] =	vst v11;
	v9 =	vmul.f32 v9, v12;
	v11 =	vmul.f32 v28, v51;
	v53 =	vadd.f32 $-1.000000000e+00, v37  }
0x214: {  	v52 =	vadd.f32 $-1.000000000e+00, v34;
	[tilespmem:s19+$0xFFFFFF90] =	vst v10;
	v10 =	vmul.f32 v30, v54  }
0x215: {  	[tilespmem:s19+$0xFFFFFF80] =	vst v9;
	v11 =	vmul.f32 v11, v14;
	v55 =	vadd.f32 $-1.000000000e+00, v31;
	v9 =	vmul.f32 v16, v53  }
0x216: {  	v15 =	vmul.f32 v15, v52;
	v10 =	vmul.f32 v10, v19;
	v57 =	vadd.f32 $-1.000000000e+00, v36  }
0x217: {  	[tilespmem:s18+$0x0] =	vst v11;
	v11 =	vadd.f32 $-1.000000000e+00, v47;
	v9 =	vmul.f32 v9, v20;
	v12 =	vmul.f32 v58, v55  }
0x218: {  	[tilespmem:s17+$0x0] =	vst v10;
	v56 =	vmul.f32 v15, v22;
	v58 =	vmul.f32 v59, v57;
	v59 =	vadd.f32 $-1.000000000e+00, v61  }
0x219: {  	[tilespmem:s18+$0xFFFFFF90] =	vst v9;
	v9 =	vmul.f32 v60, v11;
	v11 =	vmul.f32 v12, v42;
	v60 =	vadd.f32 $-1.000000000e+00, v63;
	v61 =	vpop (erf)  }
0x21a: {  	s29 =	smul.u32 $0x19000, s16;
	[tilespmem:s18+$0xFFFFFF80] =	vst v56;
	v10 =	vmul.f32 v58, v43;
	v62 =	vmul.f32 v61, v59;
	v63 =	vpop (erf)  }
0x21b: {  	s30 =	smul.u32 $0x6400, s21;
	p1 =	sne.s32 s15, s6;
	v9 =	vmul.f32 v9, v39;
	[tilespmem:s17+$0xFFFFFF80] =	vst v11;
	v11 =	vmul.f32 v63, v60  }
.Ltmp1:
0x21c: {  	[tilespmem:s17+$0xFFFFFF90] =	vst v10;
	v10 =	vmul.f32 v62, v41;
	(pc) =	sbr.rel @p1 .LBB2_2-.Ltmp1, $4  }
0x21d: {  	[tilespmem:s28+$0x0] =	vst v9;
	v9 =	vmul.f32 v11, v46  }
0x21e: {  	s31 =	sadd.s32 $0x3, s16;
	s18 =	sshrl.u32 s29, $0x2;
	s17 =	sshrl.u32 s30, $0x3;
	[tilespmem:s28+$0xFFFFFF80] =	vst v10  }
0x21f: {  	p0 =	por !p0, !p0;
	s18 =	sadd.s32 $0xC880, s18;
	s17 =	sadd.s32 s7, s17;
	[tilespmem:s28+$0xFFFFFF90] =	vst v9  }
0x220: {  	[hbm4b:s17+s4] =	stream.linear.scatter [tilespmem:s18], [sflag:s31], $0x6400, $0x38;
	[tilespmem:$0x19080] =	vst v63  }
0x221: {  	s14 =	sadd.s32 $0x1, s14  }
0x222: {  	_ =	swait.ge [sflag:s9], $0x6400;
	p0 =	sne.s32 s14, s11  }
.Ltmp2:
0x223: {  	[sflag:s9] =	ssyncset.done $0x0;
	(pc) =	sbr.rel @p0 .LBB2_1-.Ltmp2, $4  }
0x224: {  	[sflag:s9] =	ssyncadd.s32 $0xFFFF9C00  }
0x225: {  	_ =	swait.ge [sflag:s10], $0x6400  }
0x226: {  	[sflag:s10] =	ssyncset.done $0x0  }
0x227: {  	[sflag:s10] =	ssyncadd.s32 $0xFFFF9C00  }
0x228: {  	_ =	sfence.sel $0x180000  }
0x229: {  	[bflag:$0x0] =	sbarrier.arrive $0xFFFF  }
0x22a: {  	p0 =	sne.s32 s2, $0x0;
	_ =	strace $0x90000047  }
0x22b: {  	s0 =	sadd.s32 @!p0 $0x100000, s0;
	[bflag:$0x2] =	sbarrier.arrive $0xFFFF  }
0x22c: {  	[sflag:s0] =	ssyncadd.tile.s32 @!p0 $0x1;
	_ =	shalt  }
.Lfunc_end2:
_tile_overlayer_lowered:
.L_overlay_start_2:
0x22d: {  	(tag) =	ssettag $0x2  }
0x22e: {  	s0 =	rddreg [dreg:$0x0];
	s2 =	stileid.u32  }
0x22f: {  	s1 =	rddreg [dreg:$0x1];
	p0 =	sne.s32 s2, $0x0  }
0x230: {  	s3 =	rddreg [dreg:$0x2];
	[bflag:$0x3] =	sbarrier.arrive $0xFFFF;
	s2 =	simm.s32 @!p0 $0x1C05  }
0x231: {  	[timem:s3], [sflag:s2] =	dma.local @!p0 [hbm:s0], s1  }
0x232: {  	s0 =	simm.s32 @!p0 $0x5  }
0x233: {  	_ =	swait.ge @!p0 [sflag:s0], s1  }
0x234: {  	s1 =	ssub.s32 @!p0 $0x0, s1;
	[sflag:s0] =	ssyncset.done @!p0 $0x0  }
0x235: {  	[sflag:s0] =	ssyncadd.s32 @!p0 s1  }
0x236: {  	[bflag:$0x3] =	sbarrier.arrive $0xFFFF  }
0x237: {  	_ =	shalt  }

</sc_bundles>
